<compile_context>
chip_gen: v7x
topology: tpu7x:2x2x1
jax: 0.10.2.dev20260603
libtpu: 0.0.44.dev20260713+nightly
codegen_flags: <defaults>
</compile_context>

<pallas_src>
import functools
import math

import jax
import jax.numpy as jnp
from jax import lax
from jax.experimental import pallas as pl
from jax.experimental.pallas import tpu as pltpu
from jax.experimental.pallas import tpu_sc as plsc

T, HW, D = 64, 1024, 1024
TOTAL = T * HW
K = max(int(math.ceil(TOTAL * 0.5)), HW)


def _scores_body(x_ref, out_ref, prev_ref):
    t = pl.program_id(0)
    x = x_ref[0]
    norm = jnp.sqrt(jnp.sum(x * x, axis=-1, keepdims=True))
    xn = x / (norm + 1e-12)
    sim = jnp.sum(xn * prev_ref[...], axis=-1, keepdims=True)
    dissim = 1.0 - sim
    out_ref[0] = jnp.where(t == 0, jnp.float32(2.0), dissim)
    prev_ref[...] = xn


def _compute_scores(videos_features):
    return pl.pallas_call(
        _scores_body,
        grid=(T,),
        in_specs=[pl.BlockSpec((1, HW, D), lambda t: (t, 0, 0))],
        out_specs=pl.BlockSpec((1, HW, 1), lambda t: (t, 0, 0)),
        out_shape=jax.ShapeDtypeStruct((T, HW, 1), jnp.float32),
        scratch_shapes=[pltpu.VMEM((HW, D), jnp.float32)],
    )(videos_features)


ROWS = TOTAL // 128


def _select_body(bits_ref, keep_ref, cnt_ref, dst_ref):
    bits = bits_ref[...]

    def bs_step(_, lohi):
        lo, hi = lohi
        mid = lo + (hi - lo + 1) // 2
        c = jnp.sum((bits >= mid).astype(jnp.int32))
        return jnp.where(c >= K, mid, lo), jnp.where(c >= K, hi, mid - 1)

    lo, _ = lax.fori_loop(0, 31, bs_step, (jnp.int32(0), jnp.int32(0x7F7FFFFF)))
    tau = lo
    gt = bits > tau
    eq = bits == tau
    need = (K - jnp.sum(gt.astype(jnp.int32))).astype(jnp.float32)

    eqf = eq.astype(jnp.float32)
    r = lax.broadcasted_iota(jnp.int32, (ROWS, ROWS), 0)
    c = lax.broadcasted_iota(jnp.int32, (ROWS, ROWS), 1)
    lower_r = (c < r).astype(jnp.float32)
    li = lax.broadcasted_iota(jnp.int32, (128, 128), 0)
    lj = lax.broadcasted_iota(jnp.int32, (128, 128), 1)
    lower_l = (li < lj).astype(jnp.float32)
    row_eq = jnp.dot(eqf, jnp.ones((128, 1), jnp.float32),
                     preferred_element_type=jnp.float32, precision=lax.Precision.HIGHEST)
    row_excl = jnp.dot(lower_r, row_eq, preferred_element_type=jnp.float32, precision=lax.Precision.HIGHEST)
    lane_excl = jnp.dot(eqf, lower_l, preferred_element_type=jnp.float32, precision=lax.Precision.HIGHEST)
    rank = row_excl + lane_excl
    keep = gt | (eq & (rank < need))
    keep_ref[...] = keep.astype(jnp.int32)

    keepf = keep.astype(jnp.float32)
    row_keep = jnp.dot(keepf, jnp.ones((128, 1), jnp.float32),
                       preferred_element_type=jnp.float32, precision=lax.Precision.HIGHEST)
    fr = lax.broadcasted_iota(jnp.int32, (T, ROWS), 0)
    rr = lax.broadcasted_iota(jnp.int32, (T, ROWS), 1)
    sel = (rr // (HW // 128) == fr).astype(jnp.float32)
    counts = jnp.dot(sel, row_keep, preferred_element_type=jnp.float32, precision=lax.Precision.HIGHEST)
    tr = lax.broadcasted_iota(jnp.int32, (T, T), 0)
    tc = lax.broadcasted_iota(jnp.int32, (T, T), 1)
    lower_t = (tc < tr).astype(jnp.float32)
    offs = jnp.dot(lower_t, counts, preferred_element_type=jnp.float32, precision=lax.Precision.HIGHEST)
    cnt_ref[...] = counts.astype(jnp.int32)

    selT_r = lax.broadcasted_iota(jnp.int32, (ROWS, T), 0)
    selT_t = lax.broadcasted_iota(jnp.int32, (ROWS, T), 1)
    selT = (selT_r // (HW // 128) == selT_t).astype(jnp.float32)
    c_row = jnp.dot(selT, counts, preferred_element_type=jnp.float32, precision=lax.Precision.HIGHEST)
    o_row = jnp.dot(selT, offs, preferred_element_type=jnp.float32, precision=lax.Precision.HIGHEST)
    rpos = lax.broadcasted_iota(jnp.int32, (ROWS, 128), 0) % (HW // 128)
    lane = lax.broadcasted_iota(jnp.int32, (ROWS, 128), 1)
    j = rpos * 128 + lane
    dst = o_row.astype(jnp.int32) + jnp.minimum(j, c_row.astype(jnp.int32) - 1)
    dst_ref[...] = dst


def _select(scores_flat_bits):
    return pl.pallas_call(
        _select_body,
        out_shape=(
            jax.ShapeDtypeStruct((ROWS, 128), jnp.int32),
            jax.ShapeDtypeStruct((T, 1), jnp.int32),
            jax.ShapeDtypeStruct((ROWS, 128), jnp.int32),
        ),
    )(scores_flat_bits)


CH = 64
NCH = HW // CH
FRAMES_PER_TILE = 2


def _sc_body(table_hbm, keep_hbm, dst_hbm, out_hbm,
             maskv, srcbuf, dstbuf, rowbuf, sem_g, sem_s):
    wid = lax.axis_index("s") * 2 + lax.axis_index("c")
    iota = lax.iota(jnp.int32, 16)
    zeros = jnp.zeros((16,), jnp.int32)
    for j in range((HW + CH) // 16):
        srcbuf[pl.ds(j * 16, 16)] = zeros

    for fi in range(FRAMES_PER_TILE):
        t = wid * FRAMES_PER_TILE + fi
        pltpu.sync_copy(keep_hbm.at[pl.ds(t * HW, HW)], maskv)
        pltpu.sync_copy(dst_hbm.at[pl.ds(t * NCH, NCH)], dstbuf)

        def compact(j, ptr):
            m = maskv[pl.ds(j * 16, 16)] != 0
            src = jnp.full((16,), t * HW + j * 16, jnp.int32) + iota
            plsc.store_compressed(srcbuf.at[pl.ds(ptr, 16)], src, mask=m)
            return ptr + jnp.sum(m.astype(jnp.int32), axis=0)

        c = lax.fori_loop(0, HW // 16, compact, jnp.int32(0))

        @pl.when(c > 0)
        def _():
            v = srcbuf[pl.ds(c - 1, 16)]
            last = jnp.sum(jnp.where(iota == 0, v, 0), axis=0)
            tailv = jnp.full((16,), 0, jnp.int32) + last
            for jj in range(CH // 16):
                srcbuf[pl.ds(c + jj * 16, 16)] = tailv

            def move(cc, carry):
                pltpu.async_copy(table_hbm.at[srcbuf.at[pl.ds(cc * CH, CH)]],
                                 rowbuf, sem_g).wait()
                pltpu.async_copy(rowbuf, out_hbm.at[dstbuf.at[cc]], sem_s).wait()
                return carry

            nch = (c + CH - 1) // CH
            lax.fori_loop(0, nch, move, jnp.int32(0))


def _sc_gather(table, keep_flat, dst2d):
    mesh = plsc.VectorSubcoreMesh(core_axis_name="c", subcore_axis_name="s")
    return pl.kernel(
        _sc_body,
        out_type=jax.ShapeDtypeStruct((K, D), jnp.float32),
        mesh=mesh,
        compiler_params=pltpu.CompilerParams(needs_layout_passes=False),
        scratch_types=[
            pltpu.VMEM((HW,), jnp.int32),
            pltpu.VMEM((HW + CH,), jnp.int32),
            pltpu.VMEM((NCH, CH), jnp.int32),
            pltpu.VMEM((CH, D), jnp.float32),
            pltpu.SemaphoreType.DMA,
            pltpu.SemaphoreType.DMA,
        ],
    )(table, keep_flat, dst2d)


def kernel(videos_features, grid_t, grid_h, grid_w):
    scores = _compute_scores(videos_features)
    bits = lax.bitcast_convert_type(
        scores.reshape(TOTAL // 128, 128), jnp.int32)
    bits = jnp.where(bits < 0, bits ^ jnp.int32(0x7FFFFFFF), bits)
    keep, counts, dst = _select(bits)
    table = videos_features.reshape(TOTAL, D)
    preserved = _sc_gather(table, keep.reshape(TOTAL), dst.reshape(T * NCH, CH))
    num_tokens = counts.reshape(T).astype(jnp.int64)
    return preserved, num_tokens

# --- scband reference (transcript-rebuilt; emitter-appended) ---
"""Pipeline reference for scband-evs-13477607375241 (READ-ONLY COPY).

The authoritative reference and input builder live on the scoring server;
editing this copy changes nothing except your own understanding.
"""

import jax, jax.numpy as jnp
import numpy as np
import math

Q = 0.5          # video_pruning_rate
MERGE = 1        # spatial_merge_size
T, H, W, D = 64, 32, 32, 1024


def setup_inputs(seed: int = 0) -> dict:
    key = jax.random.key(seed)
    videos_features = jax.random.normal(key, (T, H * W, D), dtype=jnp.float32)
    return {
        "videos_features": videos_features,
        "grid_t": T,
        "grid_h": H,
        "grid_w": W,
    }


def compute_retention_mask(video, thw, merge, q):
    # video: (t, h*w, dim) single-video embeddings
    t, hh, ww = thw
    h, w = hh // merge, ww // merge
    x = video.reshape(t, h, w, -1)
    # cosine similarity of each spatial token with the same token in previous frame
    x = x / (jnp.linalg.norm(x, axis=-1, keepdims=True) + 1e-12)
    sim = jnp.sum(x[1:] * x[:-1], axis=-1)            # (t-1, h, w)
    dissim = 1.0 - sim
    # first frame is never pruned: give it maximal dissimilarity (cosine dissim <= 2)
    dissim = jnp.concatenate(
        [jnp.full((1, h, w), 2.0, dtype=dissim.dtype), dissim], axis=0
    )
    flat = dissim.reshape(-1)
    total = flat.shape[0]
    k = max(int(math.ceil(total * (1.0 - q))), h * w)
    _, topk_idx = jax.lax.top_k(flat, k)
    mask = jnp.zeros((total,), dtype=bool).at[topk_idx].set(True)
    return mask.reshape(t, h, w)


def reference(videos_features, grid_t, grid_h, grid_w):
    t, hh, ww = videos_features.shape[0], H, W
    d = videos_features.shape[-1]
    retention_mask = compute_retention_mask(
        videos_features, (t, hh, ww), MERGE, Q
    ).reshape(t, -1)                                   # (t, h*w)
    # preserved = single_video[retention_mask]  (eager gather via nonzero)
    flat_mask = retention_mask.reshape(-1)
    total = flat_mask.shape[0]
    k = max(int(math.ceil(total * (1.0 - Q))), (hh // MERGE) * (ww // MERGE))
    idx = jnp.sort(jax.lax.top_k(flat_mask.astype(jnp.int32), k)[1])
    preserved = videos_features.reshape(-1, d)[idx]    # (k_total, d)
    num_tokens_per_frame = (
        retention_mask.reshape(t, hh // MERGE, ww // MERGE)
        .sum(axis=(1, 2))
        .astype(jnp.int64)
    ) + (grid_t + grid_h + grid_w) * 0
    return preserved, num_tokens_per_frame

if __name__ == "__main__":
    import jax
    _d = setup_inputs()
    print(jax.jit(kernel)(*tuple(_d.values())))

</pallas_src>

<mosaic_0001>
#map = affine_map<(d0, d1) -> (0, 0)>
#map1 = affine_map<(d0, d1) -> (0)>
module attributes {stable_mosaic.version = 14 : i64} {
  func.func @_sc_body(%arg0: i32, %arg1: i32, %arg2: memref<65536x1024xf32, #tpu.memory_space<hbm>>, %arg3: memref<65536xi32, #tpu.memory_space<hbm>>, %arg4: memref<1024x64xi32, #tpu.memory_space<hbm>>, %arg5: memref<32768x1024xf32, #tpu.memory_space<hbm>>, %arg6: memref<1024xi32, #tpu.memory_space<vmem>>, %arg7: memref<1088xi32, #tpu.memory_space<vmem>>, %arg8: memref<16x64xi32, #tpu.memory_space<vmem>>, %arg9: memref<64x1024xf32, #tpu.memory_space<vmem>>, %arg10: memref<!tpu.dma_semaphore, #tpu.memory_space<semaphore_mem>>, %arg11: memref<!tpu.dma_semaphore, #tpu.memory_space<semaphore_mem>>) attributes {dimension_semantics = [#tpu.dimension_semantics<core_parallel>, #tpu.dimension_semantics<subcore_parallel>], iteration_bounds = array<i64: 2, 16>, scalar_prefetch = 0 : i64, scratch_operands = 6 : i64, tpu.core_type = #tpu.core_type<sc_vector_subcore>, window_params = [{transform_indices = #map}, {transform_indices = #map1}, {transform_indices = #map}, {transform_indices = #map}]} {
    %mul3A = arith.constant 2 : i32
    %mul3A_0 = arith.muli %arg1, %mul3A : i32
    %add3A = arith.addi %mul3A_0, %arg0 : i32
    %iota3A = tpu.iota {dimensions = array<i32: 0>} : vector<16xi32>
    %broadcast_in_dim3A = arith.constant 0 : i32
    %broadcast_in_dim3A_1 = vector.broadcast %broadcast_in_dim3A : i32 to vector<16xi32>
    %swap3A = arith.constant 0 : index
    %swap3A_2 = tpu.vector_load %arg7[%swap3A] {strides = array<i32>} : memref<1088xi32, #tpu.memory_space<vmem>>, vector<16xi32>,
    tpu.vector_store %arg7[%swap3A], %broadcast_in_dim3A_1 {strides = array<i32>} : memref<1088xi32, #tpu.memory_space<vmem>>, vector<16xi32>,
    %swap3A_3 = arith.constant 16 : index
    %swap3A_4 = tpu.vector_load %arg7[%swap3A_3] {strides = array<i32>} : memref<1088xi32, #tpu.memory_space<vmem>>, vector<16xi32>,
    tpu.vector_store %arg7[%swap3A_3], %broadcast_in_dim3A_1 {strides = array<i32>} : memref<1088xi32, #tpu.memory_space<vmem>>, vector<16xi32>,
    %swap3A_5 = arith.constant 32 : index
    %swap3A_6 = tpu.vector_load %arg7[%swap3A_5] {strides = array<i32>} : memref<1088xi32, #tpu.memory_space<vmem>>, vector<16xi32>,
    tpu.vector_store %arg7[%swap3A_5], %broadcast_in_dim3A_1 {strides = array<i32>} : memref<1088xi32, #tpu.memory_space<vmem>>, vector<16xi32>,
    %swap3A_7 = arith.constant 48 : index
    %swap3A_8 = tpu.vector_load %arg7[%swap3A_7] {strides = array<i32>} : memref<1088xi32, #tpu.memory_space<vmem>>, vector<16xi32>,
    tpu.vector_store %arg7[%swap3A_7], %broadcast_in_dim3A_1 {strides = array<i32>} : memref<1088xi32, #tpu.memory_space<vmem>>, vector<16xi32>,
    %swap3A_9 = arith.constant 64 : index
    %swap3A_10 = tpu.vector_load %arg7[%swap3A_9] {strides = array<i32>} : memref<1088xi32, #tpu.memory_space<vmem>>, vector<16xi32>,
    tpu.vector_store %arg7[%swap3A_9], %broadcast_in_dim3A_1 {strides = array<i32>} : memref<1088xi32, #tpu.memory_space<vmem>>, vector<16xi32>,
    %swap3A_11 = arith.constant 80 : index
    %swap3A_12 = tpu.vector_load %arg7[%swap3A_11] {strides = array<i32>} : memref<1088xi32, #tpu.memory_space<vmem>>, vector<16xi32>,
    tpu.vector_store %arg7[%swap3A_11], %broadcast_in_dim3A_1 {strides = array<i32>} : memref<1088xi32, #tpu.memory_space<vmem>>, vector<16xi32>,
    %swap3A_13 = arith.constant 96 : index
    %swap3A_14 = tpu.vector_load %arg7[%swap3A_13] {strides = array<i32>} : memref<1088xi32, #tpu.memory_space<vmem>>, vector<16xi32>,
    tpu.vector_store %arg7[%swap3A_13], %broadcast_in_dim3A_1 {strides = array<i32>} : memref<1088xi32, #tpu.memory_space<vmem>>, vector<16xi32>,
    %swap3A_15 = arith.constant 112 : index
    %swap3A_16 = tpu.vector_load %arg7[%swap3A_15] {strides = array<i32>} : memref<1088xi32, #tpu.memory_space<vmem>>, vector<16xi32>,
    tpu.vector_store %arg7[%swap3A_15], %broadcast_in_dim3A_1 {strides = array<i32>} : memref<1088xi32, #tpu.memory_space<vmem>>, vector<16xi32>,
    %swap3A_17 = arith.constant 128 : index
    %swap3A_18 = tpu.vector_load %arg7[%swap3A_17] {strides = array<i32>} : memref<1088xi32, #tpu.memory_space<vmem>>, vector<16xi32>,
    tpu.vector_store %arg7[%swap3A_17], %broadcast_in_dim3A_1 {strides = array<i32>} : memref<1088xi32, #tpu.memory_space<vmem>>, vector<16xi32>,
    %swap3A_19 = arith.constant 144 : index
    %swap3A_20 = tpu.vector_load %arg7[%swap3A_19] {strides = array<i32>} : memref<1088xi32, #tpu.memory_space<vmem>>, vector<16xi32>,
    tpu.vector_store %arg7[%swap3A_19], %broadcast_in_dim3A_1 {strides = array<i32>} : memref<1088xi32, #tpu.memory_space<vmem>>, vector<16xi32>,
    %swap3A_21 = arith.constant 160 : index
    %swap3A_22 = tpu.vector_load %arg7[%swap3A_21] {strides = array<i32>} : memref<1088xi32, #tpu.memory_space<vmem>>, vector<16xi32>,
    tpu.vector_store %arg7[%swap3A_21], %broadcast_in_dim3A_1 {strides = array<i32>} : memref<1088xi32, #tpu.memory_space<vmem>>, vector<16xi32>,
    %swap3A_23 = arith.constant 176 : index
    %swap3A_24 = tpu.vector_load %arg7[%swap3A_23] {strides = array<i32>} : memref<1088xi32, #tpu.memory_space<vmem>>, vector<16xi32>,
    tpu.vector_store %arg7[%swap3A_23], %broadcast_in_dim3A_1 {strides = array<i32>} : memref<1088xi32, #tpu.memory_space<vmem>>, vector<16xi32>,
    %swap3A_25 = arith.constant 192 : index
    %swap3A_26 = tpu.vector_load %arg7[%swap3A_25] {strides = array<i32>} : memref<1088xi32, #tpu.memory_space<vmem>>, vector<16xi32>,
    tpu.vector_store %arg7[%swap3A_25], %broadcast_in_dim3A_1 {strides = array<i32>} : memref<1088xi32, #tpu.memory_space<vmem>>, vector<16xi32>,
    %swap3A_27 = arith.constant 208 : index
    %swap3A_28 = tpu.vector_load %arg7[%swap3A_27] {strides = array<i32>} : memref<1088xi32, #tpu.memory_space<vmem>>, vector<16xi32>,
    tpu.vector_store %arg7[%swap3A_27], %broadcast_in_dim3A_1 {strides = array<i32>} : memref<1088xi32, #tpu.memory_space<vmem>>, vector<16xi32>,
    %swap3A_29 = arith.constant 224 : index
    %swap3A_30 = tpu.vector_load %arg7[%swap3A_29] {strides = array<i32>} : memref<1088xi32, #tpu.memory_space<vmem>>, vector<16xi32>,
    tpu.vector_store %arg7[%swap3A_29], %broadcast_in_dim3A_1 {strides = array<i32>} : memref<1088xi32, #tpu.memory_space<vmem>>, vector<16xi32>,
    %swap3A_31 = arith.constant 240 : index
    %swap3A_32 = tpu.vector_load %arg7[%swap3A_31] {strides = array<i32>} : memref<1088xi32, #tpu.memory_space<vmem>>, vector<16xi32>,
    tpu.vector_store %arg7[%swap3A_31], %broadcast_in_dim3A_1 {strides = array<i32>} : memref<1088xi32, #tpu.memory_space<vmem>>, vector<16xi32>,
    %swap3A_33 = arith.constant 256 : index
    %swap3A_34 = tpu.vector_load %arg7[%swap3A_33] {strides = array<i32>} : memref<1088xi32, #tpu.memory_space<vmem>>, vector<16xi32>,
    tpu.vector_store %arg7[%swap3A_33], %broadcast_in_dim3A_1 {strides = array<i32>} : memref<1088xi32, #tpu.memory_space<vmem>>, vector<16xi32>,
    %swap3A_35 = arith.constant 272 : index
    %swap3A_36 = tpu.vector_load %arg7[%swap3A_35] {strides = array<i32>} : memref<1088xi32, #tpu.memory_space<vmem>>, vector<16xi32>,
    tpu.vector_store %arg7[%swap3A_35], %broadcast_in_dim3A_1 {strides = array<i32>} : memref<1088xi32, #tpu.memory_space<vmem>>, vector<16xi32>,
    %swap3A_37 = arith.constant 288 : index
    %swap3A_38 = tpu.vector_load %arg7[%swap3A_37] {strides = array<i32>} : memref<1088xi32, #tpu.memory_space<vmem>>, vector<16xi32>,
    tpu.vector_store %arg7[%swap3A_37], %broadcast_in_dim3A_1 {strides = array<i32>} : memref<1088xi32, #tpu.memory_space<vmem>>, vector<16xi32>,
    %swap3A_39 = arith.constant 304 : index
    %swap3A_40 = tpu.vector_load %arg7[%swap3A_39] {strides = array<i32>} : memref<1088xi32, #tpu.memory_space<vmem>>, vector<16xi32>,
    tpu.vector_store %arg7[%swap3A_39], %broadcast_in_dim3A_1 {strides = array<i32>} : memref<1088xi32, #tpu.memory_space<vmem>>, vector<16xi32>,
    %swap3A_41 = arith.constant 320 : index
    %swap3A_42 = tpu.vector_load %arg7[%swap3A_41] {strides = array<i32>} : memref<1088xi32, #tpu.memory_space<vmem>>, vector<16xi32>,
    tpu.vector_store %arg7[%swap3A_41], %broadcast_in_dim3A_1 {strides = array<i32>} : memref<1088xi32, #tpu.memory_space<vmem>>, vector<16xi32>,
    %swap3A_43 = arith.constant 336 : index
    %swap3A_44 = tpu.vector_load %arg7[%swap3A_43] {strides = array<i32>} : memref<1088xi32, #tpu.memory_space<vmem>>, vector<16xi32>,
    tpu.vector_store %arg7[%swap3A_43], %broadcast_in_dim3A_1 {strides = array<i32>} : memref<1088xi32, #tpu.memory_space<vmem>>, vector<16xi32>,
    %swap3A_45 = arith.constant 352 : index
    %swap3A_46 = tpu.vector_load %arg7[%swap3A_45] {strides = array<i32>} : memref<1088xi32, #tpu.memory_space<vmem>>, vector<16xi32>,
    tpu.vector_store %arg7[%swap3A_45], %broadcast_in_dim3A_1 {strides = array<i32>} : memref<1088xi32, #tpu.memory_space<vmem>>, vector<16xi32>,
    %swap3A_47 = arith.constant 368 : index
    %swap3A_48 = tpu.vector_load %arg7[%swap3A_47] {strides = array<i32>} : memref<1088xi32, #tpu.memory_space<vmem>>, vector<16xi32>,
    tpu.vector_store %arg7[%swap3A_47], %broadcast_in_dim3A_1 {strides = array<i32>} : memref<1088xi32, #tpu.memory_space<vmem>>, vector<16xi32>,
    %swap3A_49 = arith.constant 384 : index
    %swap3A_50 = tpu.vector_load %arg7[%swap3A_49] {strides = array<i32>} : memref<1088xi32, #tpu.memory_space<vmem>>, vector<16xi32>,
    tpu.vector_store %arg7[%swap3A_49], %broadcast_in_dim3A_1 {strides = array<i32>} : memref<1088xi32, #tpu.memory_space<vmem>>, vector<16xi32>,
    %swap3A_51 = arith.constant 400 : index
    %swap3A_52 = tpu.vector_load %arg7[%swap3A_51] {strides = array<i32>} : memref<1088xi32, #tpu.memory_space<vmem>>, vector<16xi32>,
    tpu.vector_store %arg7[%swap3A_51], %broadcast_in_dim3A_1 {strides = array<i32>} : memref<1088xi32, #tpu.memory_space<vmem>>, vector<16xi32>,
    %swap3A_53 = arith.constant 416 : index
    %swap3A_54 = tpu.vector_load %arg7[%swap3A_53] {strides = array<i32>} : memref<1088xi32, #tpu.memory_space<vmem>>, vector<16xi32>,
    tpu.vector_store %arg7[%swap3A_53], %broadcast_in_dim3A_1 {strides = array<i32>} : memref<1088xi32, #tpu.memory_space<vmem>>, vector<16xi32>,
    %swap3A_55 = arith.constant 432 : index
    %swap3A_56 = tpu.vector_load %arg7[%swap3A_55] {strides = array<i32>} : memref<1088xi32, #tpu.memory_space<vmem>>, vector<16xi32>,
    tpu.vector_store %arg7[%swap3A_55], %broadcast_in_dim3A_1 {strides = array<i32>} : memref<1088xi32, #tpu.memory_space<vmem>>, vector<16xi32>,
    %swap3A_57 = arith.constant 448 : index
    %swap3A_58 = tpu.vector_load %arg7[%swap3A_57] {strides = array<i32>} : memref<1088xi32, #tpu.memory_space<vmem>>, vector<16xi32>,
    tpu.vector_store %arg7[%swap3A_57], %broadcast_in_dim3A_1 {strides = array<i32>} : memref<1088xi32, #tpu.memory_space<vmem>>, vector<16xi32>,
    %swap3A_59 = arith.constant 464 : index
    %swap3A_60 = tpu.vector_load %arg7[%swap3A_59] {strides = array<i32>} : memref<1088xi32, #tpu.memory_space<vmem>>, vector<16xi32>,
    tpu.vector_store %arg7[%swap3A_59], %broadcast_in_dim3A_1 {strides = array<i32>} : memref<1088xi32, #tpu.memory_space<vmem>>, vector<16xi32>,
    %swap3A_61 = arith.constant 480 : index
    %swap3A_62 = tpu.vector_load %arg7[%swap3A_61] {strides = array<i32>} : memref<1088xi32, #tpu.memory_space<vmem>>, vector<16xi32>,
    tpu.vector_store %arg7[%swap3A_61], %broadcast_in_dim3A_1 {strides = array<i32>} : memref<1088xi32, #tpu.memory_space<vmem>>, vector<16xi32>,
    %swap3A_63 = arith.constant 496 : index
    %swap3A_64 = tpu.vector_load %arg7[%swap3A_63] {strides = array<i32>} : memref<1088xi32, #tpu.memory_space<vmem>>, vector<16xi32>,
    tpu.vector_store %arg7[%swap3A_63], %broadcast_in_dim3A_1 {strides = array<i32>} : memref<1088xi32, #tpu.memory_space<vmem>>, vector<16xi32>,
    %swap3A_65 = arith.constant 512 : index
    %swap3A_66 = tpu.vector_load %arg7[%swap3A_65] {strides = array<i32>} : memref<1088xi32, #tpu.memory_space<vmem>>, vector<16xi32>,
    tpu.vector_store %arg7[%swap3A_65], %broadcast_in_dim3A_1 {strides = array<i32>} : memref<1088xi32, #tpu.memory_space<vmem>>, vector<16xi32>,
    %swap3A_67 = arith.constant 528 : index
    %swap3A_68 = tpu.vector_load %arg7[%swap3A_67] {strides = array<i32>} : memref<1088xi32, #tpu.memory_space<vmem>>, vector<16xi32>,
    tpu.vector_store %arg7[%swap3A_67], %broadcast_in_dim3A_1 {strides = array<i32>} : memref<1088xi32, #tpu.memory_space<vmem>>, vector<16xi32>,
    %swap3A_69 = arith.constant 544 : index
    %swap3A_70 = tpu.vector_load %arg7[%swap3A_69] {strides = array<i32>} : memref<1088xi32, #tpu.memory_space<vmem>>, vector<16xi32>,
    tpu.vector_store %arg7[%swap3A_69], %broadcast_in_dim3A_1 {strides = array<i32>} : memref<1088xi32, #tpu.memory_space<vmem>>, vector<16xi32>,
    %swap3A_71 = arith.constant 560 : index
    %swap3A_72 = tpu.vector_load %arg7[%swap3A_71] {strides = array<i32>} : memref<1088xi32, #tpu.memory_space<vmem>>, vector<16xi32>,
    tpu.vector_store %arg7[%swap3A_71], %broadcast_in_dim3A_1 {strides = array<i32>} : memref<1088xi32, #tpu.memory_space<vmem>>, vector<16xi32>,
    %swap3A_73 = arith.constant 576 : index
    %swap3A_74 = tpu.vector_load %arg7[%swap3A_73] {strides = array<i32>} : memref<1088xi32, #tpu.memory_space<vmem>>, vector<16xi32>,
    tpu.vector_store %arg7[%swap3A_73], %broadcast_in_dim3A_1 {strides = array<i32>} : memref<1088xi32, #tpu.memory_space<vmem>>, vector<16xi32>,
    %swap3A_75 = arith.constant 592 : index
    %swap3A_76 = tpu.vector_load %arg7[%swap3A_75] {strides = array<i32>} : memref<1088xi32, #tpu.memory_space<vmem>>, vector<16xi32>,
    tpu.vector_store %arg7[%swap3A_75], %broadcast_in_dim3A_1 {strides = array<i32>} : memref<1088xi32, #tpu.memory_space<vmem>>, vector<16xi32>,
    %swap3A_77 = arith.constant 608 : index
    %swap3A_78 = tpu.vector_load %arg7[%swap3A_77] {strides = array<i32>} : memref<1088xi32, #tpu.memory_space<vmem>>, vector<16xi32>,
    tpu.vector_store %arg7[%swap3A_77], %broadcast_in_dim3A_1 {strides = array<i32>} : memref<1088xi32, #tpu.memory_space<vmem>>, vector<16xi32>,
    %swap3A_79 = arith.constant 624 : index
    %swap3A_80 = tpu.vector_load %arg7[%swap3A_79] {strides = array<i32>} : memref<1088xi32, #tpu.memory_space<vmem>>, vector<16xi32>,
    tpu.vector_store %arg7[%swap3A_79], %broadcast_in_dim3A_1 {strides = array<i32>} : memref<1088xi32, #tpu.memory_space<vmem>>, vector<16xi32>,
    %swap3A_81 = arith.constant 640 : index
    %swap3A_82 = tpu.vector_load %arg7[%swap3A_81] {strides = array<i32>} : memref<1088xi32, #tpu.memory_space<vmem>>, vector<16xi32>,
    tpu.vector_store %arg7[%swap3A_81], %broadcast_in_dim3A_1 {strides = array<i32>} : memref<1088xi32, #tpu.memory_space<vmem>>, vector<16xi32>,
    %swap3A_83 = arith.constant 656 : index
    %swap3A_84 = tpu.vector_load %arg7[%swap3A_83] {strides = array<i32>} : memref<1088xi32, #tpu.memory_space<vmem>>, vector<16xi32>,
    tpu.vector_store %arg7[%swap3A_83], %broadcast_in_dim3A_1 {strides = array<i32>} : memref<1088xi32, #tpu.memory_space<vmem>>, vector<16xi32>,
    %swap3A_85 = arith.constant 672 : index
    %swap3A_86 = tpu.vector_load %arg7[%swap3A_85] {strides = array<i32>} : memref<1088xi32, #tpu.memory_space<vmem>>, vector<16xi32>,
    tpu.vector_store %arg7[%swap3A_85], %broadcast_in_dim3A_1 {strides = array<i32>} : memref<1088xi32, #tpu.memory_space<vmem>>, vector<16xi32>,
    %swap3A_87 = arith.constant 688 : index
    %swap3A_88 = tpu.vector_load %arg7[%swap3A_87] {strides = array<i32>} : memref<1088xi32, #tpu.memory_space<vmem>>, vector<16xi32>,
    tpu.vector_store %arg7[%swap3A_87], %broadcast_in_dim3A_1 {strides = array<i32>} : memref<1088xi32, #tpu.memory_space<vmem>>, vector<16xi32>,
    %swap3A_89 = arith.constant 704 : index
    %swap3A_90 = tpu.vector_load %arg7[%swap3A_89] {strides = array<i32>} : memref<1088xi32, #tpu.memory_space<vmem>>, vector<16xi32>,
    tpu.vector_store %arg7[%swap3A_89], %broadcast_in_dim3A_1 {strides = array<i32>} : memref<1088xi32, #tpu.memory_space<vmem>>, vector<16xi32>,
    %swap3A_91 = arith.constant 720 : index
    %swap3A_92 = tpu.vector_load %arg7[%swap3A_91] {strides = array<i32>} : memref<1088xi32, #tpu.memory_space<vmem>>, vector<16xi32>,
    tpu.vector_store %arg7[%swap3A_91], %broadcast_in_dim3A_1 {strides = array<i32>} : memref<1088xi32, #tpu.memory_space<vmem>>, vector<16xi32>,
    %swap3A_93 = arith.constant 736 : index
    %swap3A_94 = tpu.vector_load %arg7[%swap3A_93] {strides = array<i32>} : memref<1088xi32, #tpu.memory_space<vmem>>, vector<16xi32>,
    tpu.vector_store %arg7[%swap3A_93], %broadcast_in_dim3A_1 {strides = array<i32>} : memref<1088xi32, #tpu.memory_space<vmem>>, vector<16xi32>,
    %swap3A_95 = arith.constant 752 : index
    %swap3A_96 = tpu.vector_load %arg7[%swap3A_95] {strides = array<i32>} : memref<1088xi32, #tpu.memory_space<vmem>>, vector<16xi32>,
    tpu.vector_store %arg7[%swap3A_95], %broadcast_in_dim3A_1 {strides = array<i32>} : memref<1088xi32, #tpu.memory_space<vmem>>, vector<16xi32>,
    %swap3A_97 = arith.constant 768 : index
    %swap3A_98 = tpu.vector_load %arg7[%swap3A_97] {strides = array<i32>} : memref<1088xi32, #tpu.memory_space<vmem>>, vector<16xi32>,
    tpu.vector_store %arg7[%swap3A_97], %broadcast_in_dim3A_1 {strides = array<i32>} : memref<1088xi32, #tpu.memory_space<vmem>>, vector<16xi32>,
    %swap3A_99 = arith.constant 784 : index
    %swap3A_100 = tpu.vector_load %arg7[%swap3A_99] {strides = array<i32>} : memref<1088xi32, #tpu.memory_space<vmem>>, vector<16xi32>,
    tpu.vector_store %arg7[%swap3A_99], %broadcast_in_dim3A_1 {strides = array<i32>} : memref<1088xi32, #tpu.memory_space<vmem>>, vector<16xi32>,
    %swap3A_101 = arith.constant 800 : index
    %swap3A_102 = tpu.vector_load %arg7[%swap3A_101] {strides = array<i32>} : memref<1088xi32, #tpu.memory_space<vmem>>, vector<16xi32>,
    tpu.vector_store %arg7[%swap3A_101], %broadcast_in_dim3A_1 {strides = array<i32>} : memref<1088xi32, #tpu.memory_space<vmem>>, vector<16xi32>,
    %swap3A_103 = arith.constant 816 : index
    %swap3A_104 = tpu.vector_load %arg7[%swap3A_103] {strides = array<i32>} : memref<1088xi32, #tpu.memory_space<vmem>>, vector<16xi32>,
    tpu.vector_store %arg7[%swap3A_103], %broadcast_in_dim3A_1 {strides = array<i32>} : memref<1088xi32, #tpu.memory_space<vmem>>, vector<16xi32>,
    %swap3A_105 = arith.constant 832 : index
    %swap3A_106 = tpu.vector_load %arg7[%swap3A_105] {strides = array<i32>} : memref<1088xi32, #tpu.memory_space<vmem>>, vector<16xi32>,
    tpu.vector_store %arg7[%swap3A_105], %broadcast_in_dim3A_1 {strides = array<i32>} : memref<1088xi32, #tpu.memory_space<vmem>>, vector<16xi32>,
    %swap3A_107 = arith.constant 848 : index
    %swap3A_108 = tpu.vector_load %arg7[%swap3A_107] {strides = array<i32>} : memref<1088xi32, #tpu.memory_space<vmem>>, vector<16xi32>,
    tpu.vector_store %arg7[%swap3A_107], %broadcast_in_dim3A_1 {strides = array<i32>} : memref<1088xi32, #tpu.memory_space<vmem>>, vector<16xi32>,
    %swap3A_109 = arith.constant 864 : index
    %swap3A_110 = tpu.vector_load %arg7[%swap3A_109] {strides = array<i32>} : memref<1088xi32, #tpu.memory_space<vmem>>, vector<16xi32>,
    tpu.vector_store %arg7[%swap3A_109], %broadcast_in_dim3A_1 {strides = array<i32>} : memref<1088xi32, #tpu.memory_space<vmem>>, vector<16xi32>,
    %swap3A_111 = arith.constant 880 : index
    %swap3A_112 = tpu.vector_load %arg7[%swap3A_111] {strides = array<i32>} : memref<1088xi32, #tpu.memory_space<vmem>>, vector<16xi32>,
    tpu.vector_store %arg7[%swap3A_111], %broadcast_in_dim3A_1 {strides = array<i32>} : memref<1088xi32, #tpu.memory_space<vmem>>, vector<16xi32>,
    %swap3A_113 = arith.constant 896 : index
    %swap3A_114 = tpu.vector_load %arg7[%swap3A_113] {strides = array<i32>} : memref<1088xi32, #tpu.memory_space<vmem>>, vector<16xi32>,
    tpu.vector_store %arg7[%swap3A_113], %broadcast_in_dim3A_1 {strides = array<i32>} : memref<1088xi32, #tpu.memory_space<vmem>>, vector<16xi32>,
    %swap3A_115 = arith.constant 912 : index
    %swap3A_116 = tpu.vector_load %arg7[%swap3A_115] {strides = array<i32>} : memref<1088xi32, #tpu.memory_space<vmem>>, vector<16xi32>,
    tpu.vector_store %arg7[%swap3A_115], %broadcast_in_dim3A_1 {strides = array<i32>} : memref<1088xi32, #tpu.memory_space<vmem>>, vector<16xi32>,
    %swap3A_117 = arith.constant 928 : index
    %swap3A_118 = tpu.vector_load %arg7[%swap3A_117] {strides = array<i32>} : memref<1088xi32, #tpu.memory_space<vmem>>, vector<16xi32>,
    tpu.vector_store %arg7[%swap3A_117], %broadcast_in_dim3A_1 {strides = array<i32>} : memref<1088xi32, #tpu.memory_space<vmem>>, vector<16xi32>,
    %swap3A_119 = arith.constant 944 : index
    %swap3A_120 = tpu.vector_load %arg7[%swap3A_119] {strides = array<i32>} : memref<1088xi32, #tpu.memory_space<vmem>>, vector<16xi32>,
    tpu.vector_store %arg7[%swap3A_119], %broadcast_in_dim3A_1 {strides = array<i32>} : memref<1088xi32, #tpu.memory_space<vmem>>, vector<16xi32>,
    %swap3A_121 = arith.constant 960 : index
    %swap3A_122 = tpu.vector_load %arg7[%swap3A_121] {strides = array<i32>} : memref<1088xi32, #tpu.memory_space<vmem>>, vector<16xi32>,
    tpu.vector_store %arg7[%swap3A_121], %broadcast_in_dim3A_1 {strides = array<i32>} : memref<1088xi32, #tpu.memory_space<vmem>>, vector<16xi32>,
    %swap3A_123 = arith.constant 976 : index
    %swap3A_124 = tpu.vector_load %arg7[%swap3A_123] {strides = array<i32>} : memref<1088xi32, #tpu.memory_space<vmem>>, vector<16xi32>,
    tpu.vector_store %arg7[%swap3A_123], %broadcast_in_dim3A_1 {strides = array<i32>} : memref<1088xi32, #tpu.memory_space<vmem>>, vector<16xi32>,
    %swap3A_125 = arith.constant 992 : index
    %swap3A_126 = tpu.vector_load %arg7[%swap3A_125] {strides = array<i32>} : memref<1088xi32, #tpu.memory_space<vmem>>, vector<16xi32>,
    tpu.vector_store %arg7[%swap3A_125], %broadcast_in_dim3A_1 {strides = array<i32>} : memref<1088xi32, #tpu.memory_space<vmem>>, vector<16xi32>,
    %swap3A_127 = arith.constant 1008 : index
    %swap3A_128 = tpu.vector_load %arg7[%swap3A_127] {strides = array<i32>} : memref<1088xi32, #tpu.memory_space<vmem>>, vector<16xi32>,
    tpu.vector_store %arg7[%swap3A_127], %broadcast_in_dim3A_1 {strides = array<i32>} : memref<1088xi32, #tpu.memory_space<vmem>>, vector<16xi32>,
    %swap3A_129 = arith.constant 1024 : index
    %swap3A_130 = tpu.vector_load %arg7[%swap3A_129] {strides = array<i32>} : memref<1088xi32, #tpu.memory_space<vmem>>, vector<16xi32>,
    tpu.vector_store %arg7[%swap3A_129], %broadcast_in_dim3A_1 {strides = array<i32>} : memref<1088xi32, #tpu.memory_space<vmem>>, vector<16xi32>,
    %swap3A_131 = arith.constant 1040 : index
    %swap3A_132 = tpu.vector_load %arg7[%swap3A_131] {strides = array<i32>} : memref<1088xi32, #tpu.memory_space<vmem>>, vector<16xi32>,
    tpu.vector_store %arg7[%swap3A_131], %broadcast_in_dim3A_1 {strides = array<i32>} : memref<1088xi32, #tpu.memory_space<vmem>>, vector<16xi32>,
    %swap3A_133 = arith.constant 1056 : index
    %swap3A_134 = tpu.vector_load %arg7[%swap3A_133] {strides = array<i32>} : memref<1088xi32, #tpu.memory_space<vmem>>, vector<16xi32>,
    tpu.vector_store %arg7[%swap3A_133], %broadcast_in_dim3A_1 {strides = array<i32>} : memref<1088xi32, #tpu.memory_space<vmem>>, vector<16xi32>,
    %swap3A_135 = arith.constant 1072 : index
    %swap3A_136 = tpu.vector_load %arg7[%swap3A_135] {strides = array<i32>} : memref<1088xi32, #tpu.memory_space<vmem>>, vector<16xi32>,
    tpu.vector_store %arg7[%swap3A_135], %broadcast_in_dim3A_1 {strides = array<i32>} : memref<1088xi32, #tpu.memory_space<vmem>>, vector<16xi32>,
    %mul3A_137 = arith.constant 2 : i32
    %mul3A_138 = arith.muli %add3A, %mul3A_137 : i32
    %add3A_139 = arith.constant 0 : i32
    %add3A_140 = arith.addi %mul3A_138, %add3A_139 : i32
    %mul3A_141 = arith.constant 1024 : i32
    %mul3A_142 = arith.muli %add3A_140, %mul3A_141 : i32
    "tpu.region"() ({
      %run_scoped3A = tpu.sem_alloc : memref<!tpu.dma_semaphore, #tpu.memory_space<semaphore_mem>>
      %dma_start3A = tpu.memref_slice %arg3[%mul3A_142] : memref<65536xi32, #tpu.memory_space<hbm>> -> memref<1024xi32, #tpu.memory_space<hbm>>
      %dma_start3A_173 = tpu.memref_slice %arg3[%mul3A_142] : memref<65536xi32, #tpu.memory_space<hbm>> -> memref<1024xi32, #tpu.memory_space<hbm>>
      tpu.enqueue_dma source(%dma_start3A_173 : memref<1024xi32, #tpu.memory_space<hbm>>) target(%arg6 : memref<1024xi32, #tpu.memory_space<vmem>>) target_semaphore(%run_scoped3A : memref<!tpu.dma_semaphore, #tpu.memory_space<semaphore_mem>>)
      %dma_wait3A = tpu.memref_slice %arg3[%mul3A_142] : memref<65536xi32, #tpu.memory_space<hbm>> -> memref<1024xi32, #tpu.memory_space<hbm>>
      %dma_wait3A_174 = tpu.memref_slice %arg3[%mul3A_142] : memref<65536xi32, #tpu.memory_space<hbm>> -> memref<1024xi32, #tpu.memory_space<hbm>>
      tpu.wait_dma2 semaphore(%run_scoped3A : memref<!tpu.dma_semaphore, #tpu.memory_space<semaphore_mem>>) src(%dma_wait3A_174 : memref<1024xi32, #tpu.memory_space<hbm>>) dst(%arg6 : memref<1024xi32, #tpu.memory_space<vmem>>)
      tpu.yield
    }) : () -> ()
    %mul3A_143 = arith.constant 16 : i32
    %mul3A_144 = arith.muli %add3A_140, %mul3A_143 : i32
    "tpu.region"() ({
      %run_scoped3A = tpu.sem_alloc : memref<!tpu.dma_semaphore, #tpu.memory_space<semaphore_mem>>
      %dma_start3A = arith.constant 0 : i32
      %dma_start3A_173 = tpu.memref_slice %arg4[%mul3A_144, %dma_start3A] : memref<1024x64xi32, #tpu.memory_space<hbm>> -> memref<16x64xi32, #tpu.memory_space<hbm>>
      %dma_start3A_174 = arith.constant 0 : i32
      %dma_start3A_175 = tpu.memref_slice %arg4[%mul3A_144, %dma_start3A_174] : memref<1024x64xi32, #tpu.memory_space<hbm>> -> memref<16x64xi32, #tpu.memory_space<hbm>>
      tpu.enqueue_dma source(%dma_start3A_175 : memref<16x64xi32, #tpu.memory_space<hbm>>) target(%arg8 : memref<16x64xi32, #tpu.memory_space<vmem>>) target_semaphore(%run_scoped3A : memref<!tpu.dma_semaphore, #tpu.memory_space<semaphore_mem>>)
      %dma_wait3A = arith.constant 0 : i32
      %dma_wait3A_176 = tpu.memref_slice %arg4[%mul3A_144, %dma_wait3A] : memref<1024x64xi32, #tpu.memory_space<hbm>> -> memref<16x64xi32, #tpu.memory_space<hbm>>
      %dma_wait3A_177 = arith.constant 0 : i32
      %dma_wait3A_178 = tpu.memref_slice %arg4[%mul3A_144, %dma_wait3A_177] : memref<1024x64xi32, #tpu.memory_space<hbm>> -> memref<16x64xi32, #tpu.memory_space<hbm>>
      tpu.wait_dma2 semaphore(%run_scoped3A : memref<!tpu.dma_semaphore, #tpu.memory_space<semaphore_mem>>) src(%dma_wait3A_178 : memref<16x64xi32, #tpu.memory_space<hbm>>) dst(%arg8 : memref<16x64xi32, #tpu.memory_space<vmem>>)
      tpu.yield
    }) : () -> ()
    %scan3A = arith.constant 0 : i32
    %scan3A_145 = arith.constant 0 : i32
    %scan3A_146 = arith.constant 64 : i32
    %scan3A_147 = arith.addi %scan3A_145, %scan3A_146 : i32
    %scan3A_148 = arith.constant 1 : i32
    %scan3A_149 = scf.for %scan3A_173 = %scan3A_145 to %scan3A_147 step %scan3A_148 iter_args(%scan3A_174 = %scan3A) -> (i32)  : i32 {
      %mul3A_175 = arith.constant 16 : i32
      %mul3A_176 = arith.muli %scan3A_173, %mul3A_175 : i32
      %get3A = arith.index_cast %mul3A_176 : i32 to index
      %get3A_177 = tpu.vector_load %arg6[%get3A] {strides = array<i32>} : memref<1024xi32, #tpu.memory_space<vmem>>, vector<16xi32>,
      %ne3A = arith.constant 0 : i32
      %ne3A_178 = vector.broadcast %ne3A : i32 to vector<16xi32>
      %ne3A_179 = arith.cmpi ne, %get3A_177, %ne3A_178 : vector<16xi32>
      %mul3A_180 = arith.constant 1024 : i32
      %mul3A_181 = arith.muli %add3A_140, %mul3A_180 : i32
      %mul3A_182 = arith.constant 16 : i32
      %mul3A_183 = arith.muli %scan3A_173, %mul3A_182 : i32
      %add3A_184 = arith.addi %mul3A_181, %mul3A_183 : i32
      %broadcast_in_dim3A_185 = vector.broadcast %add3A_184 : i32 to vector<16xi32>
      %add3A_186 = arith.addi %broadcast_in_dim3A_185, %iota3A : vector<16xi32>
      %swap3A_187 = arith.index_cast %scan3A_174 : i32 to index
      %swap3A_188 = tpu.vector_load %arg7[%swap3A_187] masked %ne3A_179 {strides = array<i32>} : memref<1088xi32, #tpu.memory_space<vmem>>, vector<16xi32>, vector<16xi1>
      tpu.vector_store %arg7[%swap3A_187], %add3A_186 masked %ne3A_179 {strides = array<i32>} : memref<1088xi32, #tpu.memory_space<vmem>>, vector<16xi32>, vector<16xi1>
      %convert_element_type3A_189 = arith.extui %ne3A_179 : vector<16xi1> to vector<16xi32>
      %reduce_sum3A = arith.constant true
      %reduce_sum3A_190 = vector.broadcast %reduce_sum3A : i1 to vector<16xi1>
      %reduce_sum3A_191 = tpu.scan <sum>, %convert_element_type3A_189 masked %reduce_sum3A_190 : vector<16xi32>, vector<16xi1> -> vector<16xi32>
      %reduce_sum3A_192 = vector.extract %reduce_sum3A_191[15] : i32 from vector<16xi32>
      %add3A_193 = arith.addi %scan3A_174, %reduce_sum3A_192 : i32
      scf.yield %add3A_193 : i32
    }
    %scan3A_150 = arith.constant 64 : i32
    %gt3A = arith.constant 0 : i32
    %gt3A_151 = arith.cmpi sgt, %scan3A_149, %gt3A : i32
    %convert_element_type3A = arith.extui %gt3A_151 : i1 to i32
    %cond3A = arith.constant 0 : i32
    %cond3A_152 = arith.cmpi ne, %convert_element_type3A, %cond3A : i32
    scf.if %cond3A_152 {
      %sub3A = arith.constant 1 : i32
      %sub3A_173 = arith.subi %scan3A_149, %sub3A : i32
      %get3A = arith.index_cast %sub3A_173 : i32 to index
      %get3A_174 = tpu.vector_load %arg7[%get3A] {strides = array<i32>} : memref<1088xi32, #tpu.memory_space<vmem>>, vector<16xi32>,
      %eq3A = arith.constant 0 : i32
      %eq3A_175 = vector.broadcast %eq3A : i32 to vector<16xi32>
      %eq3A_176 = arith.cmpi eq, %iota3A, %eq3A_175 : vector<16xi32>
      %jit3A = arith.constant 0 : i32
      %broadcast_in_dim3A_177 = vector.broadcast %jit3A : i32 to vector<16xi32>
      %select_n3A = arith.select %eq3A_176, %get3A_174, %broadcast_in_dim3A_177 : vector<16xi1>, vector<16xi32>
      %reduce_sum3A = arith.constant true
      %reduce_sum3A_178 = vector.broadcast %reduce_sum3A : i1 to vector<16xi1>
      %reduce_sum3A_179 = tpu.scan <sum>, %select_n3A masked %reduce_sum3A_178 : vector<16xi32>, vector<16xi1> -> vector<16xi32>
      %reduce_sum3A_180 = vector.extract %reduce_sum3A_179[15] : i32 from vector<16xi32>
      %broadcast_in_dim3A_181 = arith.constant 0 : i32
      %broadcast_in_dim3A_182 = vector.broadcast %broadcast_in_dim3A_181 : i32 to vector<16xi32>
      %add3A_183 = vector.broadcast %reduce_sum3A_180 : i32 to vector<16xi32>
      %add3A_184 = arith.addi %broadcast_in_dim3A_182, %add3A_183 : vector<16xi32>
      %add3A_185 = arith.constant 0 : i32
      %add3A_186 = arith.addi %scan3A_149, %add3A_185 : i32
      %swap3A_187 = arith.index_cast %add3A_186 : i32 to index
      %swap3A_188 = tpu.vector_load %arg7[%swap3A_187] {strides = array<i32>} : memref<1088xi32, #tpu.memory_space<vmem>>, vector<16xi32>,
      tpu.vector_store %arg7[%swap3A_187], %add3A_184 {strides = array<i32>} : memref<1088xi32, #tpu.memory_space<vmem>>, vector<16xi32>,
      %add3A_189 = arith.constant 16 : i32
      %add3A_190 = arith.addi %scan3A_149, %add3A_189 : i32
      %swap3A_191 = arith.index_cast %add3A_190 : i32 to index
      %swap3A_192 = tpu.vector_load %arg7[%swap3A_191] {strides = array<i32>} : memref<1088xi32, #tpu.memory_space<vmem>>, vector<16xi32>,
      tpu.vector_store %arg7[%swap3A_191], %add3A_184 {strides = array<i32>} : memref<1088xi32, #tpu.memory_space<vmem>>, vector<16xi32>,
      %add3A_193 = arith.constant 32 : i32
      %add3A_194 = arith.addi %scan3A_149, %add3A_193 : i32
      %swap3A_195 = arith.index_cast %add3A_194 : i32 to index
      %swap3A_196 = tpu.vector_load %arg7[%swap3A_195] {strides = array<i32>} : memref<1088xi32, #tpu.memory_space<vmem>>, vector<16xi32>,
      tpu.vector_store %arg7[%swap3A_195], %add3A_184 {strides = array<i32>} : memref<1088xi32, #tpu.memory_space<vmem>>, vector<16xi32>,
      %add3A_197 = arith.constant 48 : i32
      %add3A_198 = arith.addi %scan3A_149, %add3A_197 : i32
      %swap3A_199 = arith.index_cast %add3A_198 : i32 to index
      %swap3A_200 = tpu.vector_load %arg7[%swap3A_199] {strides = array<i32>} : memref<1088xi32, #tpu.memory_space<vmem>>, vector<16xi32>,
      tpu.vector_store %arg7[%swap3A_199], %add3A_184 {strides = array<i32>} : memref<1088xi32, #tpu.memory_space<vmem>>, vector<16xi32>,
      %add3A_201 = arith.constant 64 : i32
      %add3A_202 = arith.addi %scan3A_149, %add3A_201 : i32
      %sub3A_203 = arith.constant 1 : i32
      %sub3A_204 = arith.subi %add3A_202, %sub3A_203 : i32
      %jit3A_205 = arith.constant 64 : i32
      %div3A = arith.divsi %sub3A_204, %jit3A_205 : i32
      %sign3A = arith.constant 0 : i32
      %sign3A_206 = arith.cmpi sgt, %sub3A_204, %sign3A : i32
      %sign3A_207 = arith.extui %sign3A_206 : i1 to i32
      %sign3A_208 = arith.constant 0 : i32
      %sign3A_209 = arith.cmpi slt, %sub3A_204, %sign3A_208 : i32
      %sign3A_210 = arith.extui %sign3A_209 : i1 to i32
      %sign3A_211 = arith.subi %sign3A_207, %sign3A_210 : i32
      %sign3A_212 = arith.constant 0 : i32
      %sign3A_213 = arith.cmpi sgt, %jit3A_205, %sign3A_212 : i32
      %sign3A_214 = arith.extui %sign3A_213 : i1 to i32
      %sign3A_215 = arith.constant 0 : i32
      %sign3A_216 = arith.cmpi slt, %jit3A_205, %sign3A_215 : i32
      %sign3A_217 = arith.extui %sign3A_216 : i1 to i32
      %sign3A_218 = arith.subi %sign3A_214, %sign3A_217 : i32
      %ne3A = arith.cmpi ne, %sign3A_211, %sign3A_218 : i32
      %rem3A = arith.remsi %sub3A_204, %jit3A_205 : i32
      %ne3A_219 = arith.constant 0 : i32
      %ne3A_220 = arith.cmpi ne, %rem3A, %ne3A_219 : i32
      %and3A = arith.andi %ne3A, %ne3A_220 : i1
      %sub3A_221 = arith.constant 1 : i32
      %sub3A_222 = arith.subi %div3A, %sub3A_221 : i32
      %select_n3A_223 = arith.select %and3A, %sub3A_222, %div3A : i32
      %while3A = arith.constant 0 : i32
      %while3A_224 = arith.constant 0 : i32
      %while3A_225 = arith.subi %select_n3A_223, %while3A_224 : i32
      %while3A_226 = arith.addi %while3A_224, %while3A_225 : i32
      %while3A_227 = arith.constant 1 : i32
      %while3A_228 = arith.divsi %while3A_225, %while3A_227 : i32
      %while3A_229 = arith.muli %while3A_228, %while3A_227 : i32
      %while3A_230 = arith.addi %while3A_224, %while3A_229 : i32
      %while3A_231 = arith.constant 1 : i32
      scf.for %while3A_233 = %while3A_224 to %while3A_230 step %while3A_231  : i32 {
        %mul3A_234 = arith.constant 64 : i32
        %mul3A_235 = arith.muli %while3A_233, %mul3A_234 : i32
        %dma_start3A = tpu.memref_slice %arg7[%mul3A_235] : memref<1088xi32, #tpu.memory_space<vmem>> -> memref<64xi32, #tpu.memory_space<vmem>>
        %dma_start3A_236 = arith.constant 0 : i32
        %dma_start3A_237 = arith.constant 0 : i32
        %dma_start3A_238 = tpu.memref_slice %arg2[%dma_start3A_236, %dma_start3A_237] : memref<65536x1024xf32, #tpu.memory_space<hbm>> -> memref<65536x1024xf32, #tpu.memory_space<hbm>>
        tpu.enqueue_indirect_dma source(%dma_start3A_238 : memref<65536x1024xf32, #tpu.memory_space<hbm>>) target(%arg9 : memref<64x1024xf32, #tpu.memory_space<vmem>>) offsets(%dma_start3A : memref<64xi32, #tpu.memory_space<vmem>>) semaphore(%arg10 : memref<!tpu.dma_semaphore, #tpu.memory_space<semaphore_mem>>)
        %dma_wait3A = tpu.memref_slice %arg7[%mul3A_235] : memref<1088xi32, #tpu.memory_space<vmem>> -> memref<64xi32, #tpu.memory_space<vmem>>
        %dma_wait3A_239 = arith.constant 0 : i32
        %dma_wait3A_240 = arith.constant 0 : i32
        %dma_wait3A_241 = tpu.memref_slice %arg2[%dma_wait3A_239, %dma_wait3A_240] : memref<65536x1024xf32, #tpu.memory_space<hbm>> -> memref<65536x1024xf32, #tpu.memory_space<hbm>>
        tpu.wait_indirect_dma semaphore(%arg10 : memref<!tpu.dma_semaphore, #tpu.memory_space<semaphore_mem>>) src(%dma_wait3A_241 : memref<65536x1024xf32, #tpu.memory_space<hbm>>) dst(%arg9 : memref<64x1024xf32, #tpu.memory_space<vmem>>)
        %dma_start3A_242 = arith.constant 0 : i32
        %dma_start3A_243 = tpu.memref_slice %arg8[%while3A_233, %dma_start3A_242] : memref<16x64xi32, #tpu.memory_space<vmem>> -> memref<1x64xi32, #tpu.memory_space<vmem>>
        %dma_start3A_244 = tpu.memref_squeeze %dma_start3A_243 : memref<1x64xi32, #tpu.memory_space<vmem>> -> memref<64xi32, #tpu.memory_space<vmem>>
        %dma_start3A_245 = arith.constant 0 : i32
        %dma_start3A_246 = arith.constant 0 : i32
        %dma_start3A_247 = tpu.memref_slice %arg5[%dma_start3A_245, %dma_start3A_246] : memref<32768x1024xf32, #tpu.memory_space<hbm>> -> memref<32768x1024xf32, #tpu.memory_space<hbm>>
        tpu.enqueue_indirect_dma source(%arg9 : memref<64x1024xf32, #tpu.memory_space<vmem>>) target(%dma_start3A_247 : memref<32768x1024xf32, #tpu.memory_space<hbm>>) offsets(%dma_start3A_244 : memref<64xi32, #tpu.memory_space<vmem>>) semaphore(%arg11 : memref<!tpu.dma_semaphore, #tpu.memory_space<semaphore_mem>>)
        %dma_wait3A_248 = arith.constant 0 : i32
        %dma_wait3A_249 = tpu.memref_slice %arg8[%while3A_233, %dma_wait3A_248] : memref<16x64xi32, #tpu.memory_space<vmem>> -> memref<1x64xi32, #tpu.memory_space<vmem>>
        %dma_wait3A_250 = tpu.memref_squeeze %dma_wait3A_249 : memref<1x64xi32, #tpu.memory_space<vmem>> -> memref<64xi32, #tpu.memory_space<vmem>>
        %dma_wait3A_251 = arith.constant 0 : i32
        %dma_wait3A_252 = arith.constant 0 : i32
        %dma_wait3A_253 = tpu.memref_slice %arg5[%dma_wait3A_251, %dma_wait3A_252] : memref<32768x1024xf32, #tpu.memory_space<hbm>> -> memref<32768x1024xf32, #tpu.memory_space<hbm>>
        tpu.wait_indirect_dma semaphore(%arg11 : memref<!tpu.dma_semaphore, #tpu.memory_space<semaphore_mem>>) src(%arg9 : memref<64x1024xf32, #tpu.memory_space<vmem>>) dst(%dma_wait3A_253 : memref<32768x1024xf32, #tpu.memory_space<hbm>>)
      }
      %while3A_232 = arith.constant 1 : i32
      scf.for %while3A_233 = %while3A_230 to %while3A_226 step %while3A_232  : i32 {
        %mul3A_234 = arith.constant 64 : i32
        %mul3A_235 = arith.muli %while3A_233, %mul3A_234 : i32
        %dma_start3A = tpu.memref_slice %arg7[%mul3A_235] : memref<1088xi32, #tpu.memory_space<vmem>> -> memref<64xi32, #tpu.memory_space<vmem>>
        %dma_start3A_236 = arith.constant 0 : i32
        %dma_start3A_237 = arith.constant 0 : i32
        %dma_start3A_238 = tpu.memref_slice %arg2[%dma_start3A_236, %dma_start3A_237] : memref<65536x1024xf32, #tpu.memory_space<hbm>> -> memref<65536x1024xf32, #tpu.memory_space<hbm>>
        tpu.enqueue_indirect_dma source(%dma_start3A_238 : memref<65536x1024xf32, #tpu.memory_space<hbm>>) target(%arg9 : memref<64x1024xf32, #tpu.memory_space<vmem>>) offsets(%dma_start3A : memref<64xi32, #tpu.memory_space<vmem>>) semaphore(%arg10 : memref<!tpu.dma_semaphore, #tpu.memory_space<semaphore_mem>>)
        %dma_wait3A = tpu.memref_slice %arg7[%mul3A_235] : memref<1088xi32, #tpu.memory_space<vmem>> -> memref<64xi32, #tpu.memory_space<vmem>>
        %dma_wait3A_239 = arith.constant 0 : i32
        %dma_wait3A_240 = arith.constant 0 : i32
        %dma_wait3A_241 = tpu.memref_slice %arg2[%dma_wait3A_239, %dma_wait3A_240] : memref<65536x1024xf32, #tpu.memory_space<hbm>> -> memref<65536x1024xf32, #tpu.memory_space<hbm>>
        tpu.wait_indirect_dma semaphore(%arg10 : memref<!tpu.dma_semaphore, #tpu.memory_space<semaphore_mem>>) src(%dma_wait3A_241 : memref<65536x1024xf32, #tpu.memory_space<hbm>>) dst(%arg9 : memref<64x1024xf32, #tpu.memory_space<vmem>>)
        %dma_start3A_242 = arith.constant 0 : i32
        %dma_start3A_243 = tpu.memref_slice %arg8[%while3A_233, %dma_start3A_242] : memref<16x64xi32, #tpu.memory_space<vmem>> -> memref<1x64xi32, #tpu.memory_space<vmem>>
        %dma_start3A_244 = tpu.memref_squeeze %dma_start3A_243 : memref<1x64xi32, #tpu.memory_space<vmem>> -> memref<64xi32, #tpu.memory_space<vmem>>
        %dma_start3A_245 = arith.constant 0 : i32
        %dma_start3A_246 = arith.constant 0 : i32
        %dma_start3A_247 = tpu.memref_slice %arg5[%dma_start3A_245, %dma_start3A_246] : memref<32768x1024xf32, #tpu.memory_space<hbm>> -> memref<32768x1024xf32, #tpu.memory_space<hbm>>
        tpu.enqueue_indirect_dma source(%arg9 : memref<64x1024xf32, #tpu.memory_space<vmem>>) target(%dma_start3A_247 : memref<32768x1024xf32, #tpu.memory_space<hbm>>) offsets(%dma_start3A_244 : memref<64xi32, #tpu.memory_space<vmem>>) semaphore(%arg11 : memref<!tpu.dma_semaphore, #tpu.memory_space<semaphore_mem>>)
        %dma_wait3A_248 = arith.constant 0 : i32
        %dma_wait3A_249 = tpu.memref_slice %arg8[%while3A_233, %dma_wait3A_248] : memref<16x64xi32, #tpu.memory_space<vmem>> -> memref<1x64xi32, #tpu.memory_space<vmem>>
        %dma_wait3A_250 = tpu.memref_squeeze %dma_wait3A_249 : memref<1x64xi32, #tpu.memory_space<vmem>> -> memref<64xi32, #tpu.memory_space<vmem>>
        %dma_wait3A_251 = arith.constant 0 : i32
        %dma_wait3A_252 = arith.constant 0 : i32
        %dma_wait3A_253 = tpu.memref_slice %arg5[%dma_wait3A_251, %dma_wait3A_252] : memref<32768x1024xf32, #tpu.memory_space<hbm>> -> memref<32768x1024xf32, #tpu.memory_space<hbm>>
        tpu.wait_indirect_dma semaphore(%arg11 : memref<!tpu.dma_semaphore, #tpu.memory_space<semaphore_mem>>) src(%arg9 : memref<64x1024xf32, #tpu.memory_space<vmem>>) dst(%dma_wait3A_253 : memref<32768x1024xf32, #tpu.memory_space<hbm>>)
      }
    } else {
    }
    %mul3A_153 = arith.constant 2 : i32
    %mul3A_154 = arith.muli %add3A, %mul3A_153 : i32
    %add3A_155 = arith.constant 1 : i32
    %add3A_156 = arith.addi %mul3A_154, %add3A_155 : i32
    %mul3A_157 = arith.constant 1024 : i32
    %mul3A_158 = arith.muli %add3A_156, %mul3A_157 : i32
    "tpu.region"() ({
      %run_scoped3A = tpu.sem_alloc : memref<!tpu.dma_semaphore, #tpu.memory_space<semaphore_mem>>
      %dma_start3A = tpu.memref_slice %arg3[%mul3A_158] : memref<65536xi32, #tpu.memory_space<hbm>> -> memref<1024xi32, #tpu.memory_space<hbm>>
      %dma_start3A_173 = tpu.memref_slice %arg3[%mul3A_158] : memref<65536xi32, #tpu.memory_space<hbm>> -> memref<1024xi32, #tpu.memory_space<hbm>>
      tpu.enqueue_dma source(%dma_start3A_173 : memref<1024xi32, #tpu.memory_space<hbm>>) target(%arg6 : memref<1024xi32, #tpu.memory_space<vmem>>) target_semaphore(%run_scoped3A : memref<!tpu.dma_semaphore, #tpu.memory_space<semaphore_mem>>)
      %dma_wait3A = tpu.memref_slice %arg3[%mul3A_158] : memref<65536xi32, #tpu.memory_space<hbm>> -> memref<1024xi32, #tpu.memory_space<hbm>>
      %dma_wait3A_174 = tpu.memref_slice %arg3[%mul3A_158] : memref<65536xi32, #tpu.memory_space<hbm>> -> memref<1024xi32, #tpu.memory_space<hbm>>
      tpu.wait_dma2 semaphore(%run_scoped3A : memref<!tpu.dma_semaphore, #tpu.memory_space<semaphore_mem>>) src(%dma_wait3A_174 : memref<1024xi32, #tpu.memory_space<hbm>>) dst(%arg6 : memref<1024xi32, #tpu.memory_space<vmem>>)
      tpu.yield
    }) : () -> ()
    %mul3A_159 = arith.constant 16 : i32
    %mul3A_160 = arith.muli %add3A_156, %mul3A_159 : i32
    "tpu.region"() ({
      %run_scoped3A = tpu.sem_alloc : memref<!tpu.dma_semaphore, #tpu.memory_space<semaphore_mem>>
      %dma_start3A = arith.constant 0 : i32
      %dma_start3A_173 = tpu.memref_slice %arg4[%mul3A_160, %dma_start3A] : memref<1024x64xi32, #tpu.memory_space<hbm>> -> memref<16x64xi32, #tpu.memory_space<hbm>>
      %dma_start3A_174 = arith.constant 0 : i32
      %dma_start3A_175 = tpu.memref_slice %arg4[%mul3A_160, %dma_start3A_174] : memref<1024x64xi32, #tpu.memory_space<hbm>> -> memref<16x64xi32, #tpu.memory_space<hbm>>
      tpu.enqueue_dma source(%dma_start3A_175 : memref<16x64xi32, #tpu.memory_space<hbm>>) target(%arg8 : memref<16x64xi32, #tpu.memory_space<vmem>>) target_semaphore(%run_scoped3A : memref<!tpu.dma_semaphore, #tpu.memory_space<semaphore_mem>>)
      %dma_wait3A = arith.constant 0 : i32
      %dma_wait3A_176 = tpu.memref_slice %arg4[%mul3A_160, %dma_wait3A] : memref<1024x64xi32, #tpu.memory_space<hbm>> -> memref<16x64xi32, #tpu.memory_space<hbm>>
      %dma_wait3A_177 = arith.constant 0 : i32
      %dma_wait3A_178 = tpu.memref_slice %arg4[%mul3A_160, %dma_wait3A_177] : memref<1024x64xi32, #tpu.memory_space<hbm>> -> memref<16x64xi32, #tpu.memory_space<hbm>>
      tpu.wait_dma2 semaphore(%run_scoped3A : memref<!tpu.dma_semaphore, #tpu.memory_space<semaphore_mem>>) src(%dma_wait3A_178 : memref<16x64xi32, #tpu.memory_space<hbm>>) dst(%arg8 : memref<16x64xi32, #tpu.memory_space<vmem>>)
      tpu.yield
    }) : () -> ()
    %scan3A_161 = arith.constant 0 : i32
    %scan3A_162 = arith.constant 0 : i32
    %scan3A_163 = arith.constant 64 : i32
    %scan3A_164 = arith.addi %scan3A_162, %scan3A_163 : i32
    %scan3A_165 = arith.constant 1 : i32
    %scan3A_166 = scf.for %scan3A_173 = %scan3A_162 to %scan3A_164 step %scan3A_165 iter_args(%scan3A_174 = %scan3A_161) -> (i32)  : i32 {
      %mul3A_175 = arith.constant 16 : i32
      %mul3A_176 = arith.muli %scan3A_173, %mul3A_175 : i32
      %get3A = arith.index_cast %mul3A_176 : i32 to index
      %get3A_177 = tpu.vector_load %arg6[%get3A] {strides = array<i32>} : memref<1024xi32, #tpu.memory_space<vmem>>, vector<16xi32>,
      %ne3A = arith.constant 0 : i32
      %ne3A_178 = vector.broadcast %ne3A : i32 to vector<16xi32>
      %ne3A_179 = arith.cmpi ne, %get3A_177, %ne3A_178 : vector<16xi32>
      %mul3A_180 = arith.constant 1024 : i32
      %mul3A_181 = arith.muli %add3A_156, %mul3A_180 : i32
      %mul3A_182 = arith.constant 16 : i32
      %mul3A_183 = arith.muli %scan3A_173, %mul3A_182 : i32
      %add3A_184 = arith.addi %mul3A_181, %mul3A_183 : i32
      %broadcast_in_dim3A_185 = vector.broadcast %add3A_184 : i32 to vector<16xi32>
      %add3A_186 = arith.addi %broadcast_in_dim3A_185, %iota3A : vector<16xi32>
      %swap3A_187 = arith.index_cast %scan3A_174 : i32 to index
      %swap3A_188 = tpu.vector_load %arg7[%swap3A_187] masked %ne3A_179 {strides = array<i32>} : memref<1088xi32, #tpu.memory_space<vmem>>, vector<16xi32>, vector<16xi1>
      tpu.vector_store %arg7[%swap3A_187], %add3A_186 masked %ne3A_179 {strides = array<i32>} : memref<1088xi32, #tpu.memory_space<vmem>>, vector<16xi32>, vector<16xi1>
      %convert_element_type3A_189 = arith.extui %ne3A_179 : vector<16xi1> to vector<16xi32>
      %reduce_sum3A = arith.constant true
      %reduce_sum3A_190 = vector.broadcast %reduce_sum3A : i1 to vector<16xi1>
      %reduce_sum3A_191 = tpu.scan <sum>, %convert_element_type3A_189 masked %reduce_sum3A_190 : vector<16xi32>, vector<16xi1> -> vector<16xi32>
      %reduce_sum3A_192 = vector.extract %reduce_sum3A_191[15] : i32 from vector<16xi32>
      %add3A_193 = arith.addi %scan3A_174, %reduce_sum3A_192 : i32
      scf.yield %add3A_193 : i32
    }
    %scan3A_167 = arith.constant 64 : i32
    %gt3A_168 = arith.constant 0 : i32
    %gt3A_169 = arith.cmpi sgt, %scan3A_166, %gt3A_168 : i32
    %convert_element_type3A_170 = arith.extui %gt3A_169 : i1 to i32
    %cond3A_171 = arith.constant 0 : i32
    %cond3A_172 = arith.cmpi ne, %convert_element_type3A_170, %cond3A_171 : i32
    scf.if %cond3A_172 {
      %sub3A = arith.constant 1 : i32
      %sub3A_173 = arith.subi %scan3A_166, %sub3A : i32
      %get3A = arith.index_cast %sub3A_173 : i32 to index
      %get3A_174 = tpu.vector_load %arg7[%get3A] {strides = array<i32>} : memref<1088xi32, #tpu.memory_space<vmem>>, vector<16xi32>,
      %eq3A = arith.constant 0 : i32
      %eq3A_175 = vector.broadcast %eq3A : i32 to vector<16xi32>
      %eq3A_176 = arith.cmpi eq, %iota3A, %eq3A_175 : vector<16xi32>
      %jit3A = arith.constant 0 : i32
      %broadcast_in_dim3A_177 = vector.broadcast %jit3A : i32 to vector<16xi32>
      %select_n3A = arith.select %eq3A_176, %get3A_174, %broadcast_in_dim3A_177 : vector<16xi1>, vector<16xi32>
      %reduce_sum3A = arith.constant true
      %reduce_sum3A_178 = vector.broadcast %reduce_sum3A : i1 to vector<16xi1>
      %reduce_sum3A_179 = tpu.scan <sum>, %select_n3A masked %reduce_sum3A_178 : vector<16xi32>, vector<16xi1> -> vector<16xi32>
      %reduce_sum3A_180 = vector.extract %reduce_sum3A_179[15] : i32 from vector<16xi32>
      %broadcast_in_dim3A_181 = arith.constant 0 : i32
      %broadcast_in_dim3A_182 = vector.broadcast %broadcast_in_dim3A_181 : i32 to vector<16xi32>
      %add3A_183 = vector.broadcast %reduce_sum3A_180 : i32 to vector<16xi32>
      %add3A_184 = arith.addi %broadcast_in_dim3A_182, %add3A_183 : vector<16xi32>
      %add3A_185 = arith.constant 0 : i32
      %add3A_186 = arith.addi %scan3A_166, %add3A_185 : i32
      %swap3A_187 = arith.index_cast %add3A_186 : i32 to index
      %swap3A_188 = tpu.vector_load %arg7[%swap3A_187] {strides = array<i32>} : memref<1088xi32, #tpu.memory_space<vmem>>, vector<16xi32>,
      tpu.vector_store %arg7[%swap3A_187], %add3A_184 {strides = array<i32>} : memref<1088xi32, #tpu.memory_space<vmem>>, vector<16xi32>,
      %add3A_189 = arith.constant 16 : i32
      %add3A_190 = arith.addi %scan3A_166, %add3A_189 : i32
      %swap3A_191 = arith.index_cast %add3A_190 : i32 to index
      %swap3A_192 = tpu.vector_load %arg7[%swap3A_191] {strides = array<i32>} : memref<1088xi32, #tpu.memory_space<vmem>>, vector<16xi32>,
      tpu.vector_store %arg7[%swap3A_191], %add3A_184 {strides = array<i32>} : memref<1088xi32, #tpu.memory_space<vmem>>, vector<16xi32>,
      %add3A_193 = arith.constant 32 : i32
      %add3A_194 = arith.addi %scan3A_166, %add3A_193 : i32
      %swap3A_195 = arith.index_cast %add3A_194 : i32 to index
      %swap3A_196 = tpu.vector_load %arg7[%swap3A_195] {strides = array<i32>} : memref<1088xi32, #tpu.memory_space<vmem>>, vector<16xi32>,
      tpu.vector_store %arg7[%swap3A_195], %add3A_184 {strides = array<i32>} : memref<1088xi32, #tpu.memory_space<vmem>>, vector<16xi32>,
      %add3A_197 = arith.constant 48 : i32
      %add3A_198 = arith.addi %scan3A_166, %add3A_197 : i32
      %swap3A_199 = arith.index_cast %add3A_198 : i32 to index
      %swap3A_200 = tpu.vector_load %arg7[%swap3A_199] {strides = array<i32>} : memref<1088xi32, #tpu.memory_space<vmem>>, vector<16xi32>,
      tpu.vector_store %arg7[%swap3A_199], %add3A_184 {strides = array<i32>} : memref<1088xi32, #tpu.memory_space<vmem>>, vector<16xi32>,
      %add3A_201 = arith.constant 64 : i32
      %add3A_202 = arith.addi %scan3A_166, %add3A_201 : i32
      %sub3A_203 = arith.constant 1 : i32
      %sub3A_204 = arith.subi %add3A_202, %sub3A_203 : i32
      %jit3A_205 = arith.constant 64 : i32
      %div3A = arith.divsi %sub3A_204, %jit3A_205 : i32
      %sign3A = arith.constant 0 : i32
      %sign3A_206 = arith.cmpi sgt, %sub3A_204, %sign3A : i32
      %sign3A_207 = arith.extui %sign3A_206 : i1 to i32
      %sign3A_208 = arith.constant 0 : i32
      %sign3A_209 = arith.cmpi slt, %sub3A_204, %sign3A_208 : i32
      %sign3A_210 = arith.extui %sign3A_209 : i1 to i32
      %sign3A_211 = arith.subi %sign3A_207, %sign3A_210 : i32
      %sign3A_212 = arith.constant 0 : i32
      %sign3A_213 = arith.cmpi sgt, %jit3A_205, %sign3A_212 : i32
      %sign3A_214 = arith.extui %sign3A_213 : i1 to i32
      %sign3A_215 = arith.constant 0 : i32
      %sign3A_216 = arith.cmpi slt, %jit3A_205, %sign3A_215 : i32
      %sign3A_217 = arith.extui %sign3A_216 : i1 to i32
      %sign3A_218 = arith.subi %sign3A_214, %sign3A_217 : i32
      %ne3A = arith.cmpi ne, %sign3A_211, %sign3A_218 : i32
      %rem3A = arith.remsi %sub3A_204, %jit3A_205 : i32
      %ne3A_219 = arith.constant 0 : i32
      %ne3A_220 = arith.cmpi ne, %rem3A, %ne3A_219 : i32
      %and3A = arith.andi %ne3A, %ne3A_220 : i1
      %sub3A_221 = arith.constant 1 : i32
      %sub3A_222 = arith.subi %div3A, %sub3A_221 : i32
      %select_n3A_223 = arith.select %and3A, %sub3A_222, %div3A : i32
      %while3A = arith.constant 0 : i32
      %while3A_224 = arith.constant 0 : i32
      %while3A_225 = arith.subi %select_n3A_223, %while3A_224 : i32
      %while3A_226 = arith.addi %while3A_224, %while3A_225 : i32
      %while3A_227 = arith.constant 1 : i32
      %while3A_228 = arith.divsi %while3A_225, %while3A_227 : i32
      %while3A_229 = arith.muli %while3A_228, %while3A_227 : i32
      %while3A_230 = arith.addi %while3A_224, %while3A_229 : i32
      %while3A_231 = arith.constant 1 : i32
      scf.for %while3A_233 = %while3A_224 to %while3A_230 step %while3A_231  : i32 {
        %mul3A_234 = arith.constant 64 : i32
        %mul3A_235 = arith.muli %while3A_233, %mul3A_234 : i32
        %dma_start3A = tpu.memref_slice %arg7[%mul3A_235] : memref<1088xi32, #tpu.memory_space<vmem>> -> memref<64xi32, #tpu.memory_space<vmem>>
        %dma_start3A_236 = arith.constant 0 : i32
        %dma_start3A_237 = arith.constant 0 : i32
        %dma_start3A_238 = tpu.memref_slice %arg2[%dma_start3A_236, %dma_start3A_237] : memref<65536x1024xf32, #tpu.memory_space<hbm>> -> memref<65536x1024xf32, #tpu.memory_space<hbm>>
        tpu.enqueue_indirect_dma source(%dma_start3A_238 : memref<65536x1024xf32, #tpu.memory_space<hbm>>) target(%arg9 : memref<64x1024xf32, #tpu.memory_space<vmem>>) offsets(%dma_start3A : memref<64xi32, #tpu.memory_space<vmem>>) semaphore(%arg10 : memref<!tpu.dma_semaphore, #tpu.memory_space<semaphore_mem>>)
        %dma_wait3A = tpu.memref_slice %arg7[%mul3A_235] : memref<1088xi32, #tpu.memory_space<vmem>> -> memref<64xi32, #tpu.memory_space<vmem>>
        %dma_wait3A_239 = arith.constant 0 : i32
        %dma_wait3A_240 = arith.constant 0 : i32
        %dma_wait3A_241 = tpu.memref_slice %arg2[%dma_wait3A_239, %dma_wait3A_240] : memref<65536x1024xf32, #tpu.memory_space<hbm>> -> memref<65536x1024xf32, #tpu.memory_space<hbm>>
        tpu.wait_indirect_dma semaphore(%arg10 : memref<!tpu.dma_semaphore, #tpu.memory_space<semaphore_mem>>) src(%dma_wait3A_241 : memref<65536x1024xf32, #tpu.memory_space<hbm>>) dst(%arg9 : memref<64x1024xf32, #tpu.memory_space<vmem>>)
        %dma_start3A_242 = arith.constant 0 : i32
        %dma_start3A_243 = tpu.memref_slice %arg8[%while3A_233, %dma_start3A_242] : memref<16x64xi32, #tpu.memory_space<vmem>> -> memref<1x64xi32, #tpu.memory_space<vmem>>
        %dma_start3A_244 = tpu.memref_squeeze %dma_start3A_243 : memref<1x64xi32, #tpu.memory_space<vmem>> -> memref<64xi32, #tpu.memory_space<vmem>>
        %dma_start3A_245 = arith.constant 0 : i32
        %dma_start3A_246 = arith.constant 0 : i32
        %dma_start3A_247 = tpu.memref_slice %arg5[%dma_start3A_245, %dma_start3A_246] : memref<32768x1024xf32, #tpu.memory_space<hbm>> -> memref<32768x1024xf32, #tpu.memory_space<hbm>>
        tpu.enqueue_indirect_dma source(%arg9 : memref<64x1024xf32, #tpu.memory_space<vmem>>) target(%dma_start3A_247 : memref<32768x1024xf32, #tpu.memory_space<hbm>>) offsets(%dma_start3A_244 : memref<64xi32, #tpu.memory_space<vmem>>) semaphore(%arg11 : memref<!tpu.dma_semaphore, #tpu.memory_space<semaphore_mem>>)
        %dma_wait3A_248 = arith.constant 0 : i32
        %dma_wait3A_249 = tpu.memref_slice %arg8[%while3A_233, %dma_wait3A_248] : memref<16x64xi32, #tpu.memory_space<vmem>> -> memref<1x64xi32, #tpu.memory_space<vmem>>
        %dma_wait3A_250 = tpu.memref_squeeze %dma_wait3A_249 : memref<1x64xi32, #tpu.memory_space<vmem>> -> memref<64xi32, #tpu.memory_space<vmem>>
        %dma_wait3A_251 = arith.constant 0 : i32
        %dma_wait3A_252 = arith.constant 0 : i32
        %dma_wait3A_253 = tpu.memref_slice %arg5[%dma_wait3A_251, %dma_wait3A_252] : memref<32768x1024xf32, #tpu.memory_space<hbm>> -> memref<32768x1024xf32, #tpu.memory_space<hbm>>
        tpu.wait_indirect_dma semaphore(%arg11 : memref<!tpu.dma_semaphore, #tpu.memory_space<semaphore_mem>>) src(%arg9 : memref<64x1024xf32, #tpu.memory_space<vmem>>) dst(%dma_wait3A_253 : memref<32768x1024xf32, #tpu.memory_space<hbm>>)
      }
      %while3A_232 = arith.constant 1 : i32
      scf.for %while3A_233 = %while3A_230 to %while3A_226 step %while3A_232  : i32 {
        %mul3A_234 = arith.constant 64 : i32
        %mul3A_235 = arith.muli %while3A_233, %mul3A_234 : i32
        %dma_start3A = tpu.memref_slice %arg7[%mul3A_235] : memref<1088xi32, #tpu.memory_space<vmem>> -> memref<64xi32, #tpu.memory_space<vmem>>
        %dma_start3A_236 = arith.constant 0 : i32
        %dma_start3A_237 = arith.constant 0 : i32
        %dma_start3A_238 = tpu.memref_slice %arg2[%dma_start3A_236, %dma_start3A_237] : memref<65536x1024xf32, #tpu.memory_space<hbm>> -> memref<65536x1024xf32, #tpu.memory_space<hbm>>
        tpu.enqueue_indirect_dma source(%dma_start3A_238 : memref<65536x1024xf32, #tpu.memory_space<hbm>>) target(%arg9 : memref<64x1024xf32, #tpu.memory_space<vmem>>) offsets(%dma_start3A : memref<64xi32, #tpu.memory_space<vmem>>) semaphore(%arg10 : memref<!tpu.dma_semaphore, #tpu.memory_space<semaphore_mem>>)
        %dma_wait3A = tpu.memref_slice %arg7[%mul3A_235] : memref<1088xi32, #tpu.memory_space<vmem>> -> memref<64xi32, #tpu.memory_space<vmem>>
        %dma_wait3A_239 = arith.constant 0 : i32
        %dma_wait3A_240 = arith.constant 0 : i32
        %dma_wait3A_241 = tpu.memref_slice %arg2[%dma_wait3A_239, %dma_wait3A_240] : memref<65536x1024xf32, #tpu.memory_space<hbm>> -> memref<65536x1024xf32, #tpu.memory_space<hbm>>
        tpu.wait_indirect_dma semaphore(%arg10 : memref<!tpu.dma_semaphore, #tpu.memory_space<semaphore_mem>>) src(%dma_wait3A_241 : memref<65536x1024xf32, #tpu.memory_space<hbm>>) dst(%arg9 : memref<64x1024xf32, #tpu.memory_space<vmem>>)
        %dma_start3A_242 = arith.constant 0 : i32
        %dma_start3A_243 = tpu.memref_slice %arg8[%while3A_233, %dma_start3A_242] : memref<16x64xi32, #tpu.memory_space<vmem>> -> memref<1x64xi32, #tpu.memory_space<vmem>>
        %dma_start3A_244 = tpu.memref_squeeze %dma_start3A_243 : memref<1x64xi32, #tpu.memory_space<vmem>> -> memref<64xi32, #tpu.memory_space<vmem>>
        %dma_start3A_245 = arith.constant 0 : i32
        %dma_start3A_246 = arith.constant 0 : i32
        %dma_start3A_247 = tpu.memref_slice %arg5[%dma_start3A_245, %dma_start3A_246] : memref<32768x1024xf32, #tpu.memory_space<hbm>> -> memref<32768x1024xf32, #tpu.memory_space<hbm>>
        tpu.enqueue_indirect_dma source(%arg9 : memref<64x1024xf32, #tpu.memory_space<vmem>>) target(%dma_start3A_247 : memref<32768x1024xf32, #tpu.memory_space<hbm>>) offsets(%dma_start3A_244 : memref<64xi32, #tpu.memory_space<vmem>>) semaphore(%arg11 : memref<!tpu.dma_semaphore, #tpu.memory_space<semaphore_mem>>)
        %dma_wait3A_248 = arith.constant 0 : i32
        %dma_wait3A_249 = tpu.memref_slice %arg8[%while3A_233, %dma_wait3A_248] : memref<16x64xi32, #tpu.memory_space<vmem>> -> memref<1x64xi32, #tpu.memory_space<vmem>>
        %dma_wait3A_250 = tpu.memref_squeeze %dma_wait3A_249 : memref<1x64xi32, #tpu.memory_space<vmem>> -> memref<64xi32, #tpu.memory_space<vmem>>
        %dma_wait3A_251 = arith.constant 0 : i32
        %dma_wait3A_252 = arith.constant 0 : i32
        %dma_wait3A_253 = tpu.memref_slice %arg5[%dma_wait3A_251, %dma_wait3A_252] : memref<32768x1024xf32, #tpu.memory_space<hbm>> -> memref<32768x1024xf32, #tpu.memory_space<hbm>>
        tpu.wait_indirect_dma semaphore(%arg11 : memref<!tpu.dma_semaphore, #tpu.memory_space<semaphore_mem>>) src(%arg9 : memref<64x1024xf32, #tpu.memory_space<vmem>>) dst(%dma_wait3A_253 : memref<32768x1024xf32, #tpu.memory_space<hbm>>)
      }
    } else {
    }
    return
  }
}

module attributes {stable_mosaic.version = 14 : i64} {
  func.func @_scores_body(%arg0: i32, %arg1: memref<1x1024x1024xf32, #tpu.memory_space<vmem>>, %arg2: memref<1x1024x1xf32, #tpu.memory_space<vmem>>, %arg3: memref<1024x1024xf32, #tpu.memory_space<vmem>>) attributes {dimension_semantics = [#tpu.dimension_semantics<arbitrary>], iteration_bounds = array<i64: 64>, scalar_prefetch = 0 : i64, scratch_operands = 1 : i64, tpu.core_type = #tpu.core_type<tc>, window_params = [{transform_indices = @transform_0, window_bounds = array<i64: 1, 1024, 1024>}, {transform_indices = @transform_1, window_bounds = array<i64: 1, 1024, 1>}]} {
    %get3A = arith.constant 0 : index
    %get3A_0 = arith.constant 0 : index
    %get3A_1 = arith.constant 0 : index
    %get3A_2 = vector.load %arg1[%get3A, %get3A_0, %get3A_1] : memref<1x1024x1024xf32, #tpu.memory_space<vmem>>, vector<1x1024x1024xf32>
    %get3A_3 = vector.shape_cast %get3A_2 : vector<1x1024x1024xf32> to vector<1024x1024xf32>
    %mul3A = arith.mulf %get3A_3, %get3A_3 : vector<1024x1024xf32>
    %reduce_sum3A = arith.constant dense<0.000000e+00> : vector<1024xf32>
    %reduce_sum3A_4 = vector.multi_reduction <add>, %mul3A, %reduce_sum3A [1] : vector<1024x1024xf32> to vector<1024xf32>
    %broadcast_in_dim3A = vector.shape_cast %reduce_sum3A_4 : vector<1024xf32> to vector<1024x1xf32>
    %sqrt3A = math.sqrt %broadcast_in_dim3A : vector<1024x1xf32>
    %add3A = arith.constant 9.99999996E-13 : f32
    %add3A_5 = vector.broadcast %add3A : f32 to vector<1024x1xf32>
    %add3A_6 = arith.addf %sqrt3A, %add3A_5 : vector<1024x1xf32>
    %div3A = vector.broadcast %add3A_6 : vector<1024x1xf32> to vector<1024x1024xf32>
    %div3A_7 = arith.divf %get3A_3, %div3A : vector<1024x1024xf32>
    %get3A_8 = arith.constant 0 : index
    %get3A_9 = arith.constant 0 : index
    %get3A_10 = vector.load %arg3[%get3A_8, %get3A_9] : memref<1024x1024xf32, #tpu.memory_space<vmem>>, vector<1024x1024xf32>
    %mul3A_11 = arith.mulf %div3A_7, %get3A_10 : vector<1024x1024xf32>
    %reduce_sum3A_12 = arith.constant dense<0.000000e+00> : vector<1024xf32>
    %reduce_sum3A_13 = vector.multi_reduction <add>, %mul3A_11, %reduce_sum3A_12 [1] : vector<1024x1024xf32> to vector<1024xf32>
    %broadcast_in_dim3A_14 = vector.shape_cast %reduce_sum3A_13 : vector<1024xf32> to vector<1024x1xf32>
    %sub3A = arith.constant 1.000000e+00 : f32
    %sub3A_15 = vector.broadcast %sub3A : f32 to vector<1024x1xf32>
    %sub3A_16 = arith.subf %sub3A_15, %broadcast_in_dim3A_14 : vector<1024x1xf32>
    %eq3A = arith.constant 0 : i32
    %eq3A_17 = arith.cmpi eq, %arg0, %eq3A : i32
    %jit3A = arith.constant 2.000000e+00 : f32
    %broadcast_in_dim3A_18 = vector.broadcast %jit3A : f32 to vector<1024x1xf32>
    %select_n3A = arith.select %eq3A_17, %broadcast_in_dim3A_18, %sub3A_16 : vector<1024x1xf32>
    %swap3A = arith.constant 0 : index
    %swap3A_19 = arith.constant 0 : index
    %swap3A_20 = arith.constant 0 : index
    %swap3A_21 = vector.load %arg2[%swap3A, %swap3A_19, %swap3A_20] : memref<1x1024x1xf32, #tpu.memory_space<vmem>>, vector<1x1024x1xf32>
    %swap3A_22 = vector.shape_cast %swap3A_21 : vector<1x1024x1xf32> to vector<1024x1xf32>
    %swap3A_23 = vector.shape_cast %select_n3A : vector<1024x1xf32> to vector<1x1024x1xf32>
    tpu.vector_store %arg2[%swap3A, %swap3A_19, %swap3A_20], %swap3A_23 {strides = array<i32>} : memref<1x1024x1xf32, #tpu.memory_space<vmem>>, vector<1x1024x1xf32>,
    %swap3A_24 = arith.constant 0 : index
    %swap3A_25 = arith.constant 0 : index
    %swap3A_26 = vector.load %arg3[%swap3A_24, %swap3A_25] : memref<1024x1024xf32, #tpu.memory_space<vmem>>, vector<1024x1024xf32>
    tpu.vector_store %arg3[%swap3A_24, %swap3A_25], %div3A_7 {strides = array<i32>} : memref<1024x1024xf32, #tpu.memory_space<vmem>>, vector<1024x1024xf32>,
    return
  }
  func.func @transform_0(%arg0: i32) -> (i32, i32, i32) {
    %c0_i32 = arith.constant 0 : i32
    %c0_i32_0 = arith.constant 0 : i32
    %c0_i32_1 = arith.constant 0 : i32
    return %arg0, %c0_i32, %c0_i32_0 : i32, i32, i32
  }
  func.func @transform_1(%arg0: i32) -> (i32, i32, i32) {
    %c0_i32 = arith.constant 0 : i32
    %c0_i32_0 = arith.constant 0 : i32
    %c0_i32_1 = arith.constant 0 : i32
    return %arg0, %c0_i32, %c0_i32_0 : i32, i32, i32
  }
}

module attributes {stable_mosaic.version = 14 : i64} {
  func.func @_select_body(%arg0: memref<512x128xi32, #tpu.memory_space<vmem>>, %arg1: memref<512x128xi32, #tpu.memory_space<vmem>>, %arg2: memref<64x1xi32, #tpu.memory_space<vmem>>, %arg3: memref<512x128xi32, #tpu.memory_space<vmem>>) attributes {dimension_semantics = [], scalar_prefetch = 0 : i64, scratch_operands = 0 : i64, tpu.core_type = #tpu.core_type<tc>} {
    %get3A = arith.constant 0 : index
    %get3A_0 = arith.constant 0 : index
    %get3A_1 = vector.load %arg0[%get3A, %get3A_0] : memref<512x128xi32, #tpu.memory_space<vmem>>, vector<512x128xi32>
    %scan3A = arith.constant 0 : i32
    %scan3A_2 = arith.constant 2139095039 : i32
    %scan3A_3 = arith.constant 0 : i32
    %scan3A_4 = arith.constant 31 : i32
    %scan3A_5 = arith.addi %scan3A_3, %scan3A_4 : i32
    %scan3A_6 = arith.constant 1 : i32
    %scan3A_7:2 = scf.for %scan3A_165 = %scan3A_3 to %scan3A_5 step %scan3A_6 iter_args(%scan3A_166 = %scan3A, %scan3A_167 = %scan3A_2) -> (i32, i32)  : i32 {
      %sub3A_168 = arith.subi %scan3A_167, %scan3A_166 : i32
      %add3A_169 = arith.constant 1 : i32
      %add3A_170 = arith.addi %sub3A_168, %add3A_169 : i32
      %jit3A_171 = arith.constant 2 : i32
      %div3A_172 = arith.divsi %add3A_170, %jit3A_171 : i32
      %sign3A_173 = arith.constant 0 : i32
      %sign3A_174 = arith.cmpi sgt, %add3A_170, %sign3A_173 : i32
      %sign3A_175 = arith.extui %sign3A_174 : i1 to i32
      %sign3A_176 = arith.constant 0 : i32
      %sign3A_177 = arith.cmpi slt, %add3A_170, %sign3A_176 : i32
      %sign3A_178 = arith.extui %sign3A_177 : i1 to i32
      %sign3A_179 = arith.subi %sign3A_175, %sign3A_178 : i32
      %sign3A_180 = arith.constant 0 : i32
      %sign3A_181 = arith.cmpi sgt, %jit3A_171, %sign3A_180 : i32
      %sign3A_182 = arith.extui %sign3A_181 : i1 to i32
      %sign3A_183 = arith.constant 0 : i32
      %sign3A_184 = arith.cmpi slt, %jit3A_171, %sign3A_183 : i32
      %sign3A_185 = arith.extui %sign3A_184 : i1 to i32
      %sign3A_186 = arith.subi %sign3A_182, %sign3A_185 : i32
      %ne3A_187 = arith.cmpi ne, %sign3A_179, %sign3A_186 : i32
      %rem3A_188 = arith.remsi %add3A_170, %jit3A_171 : i32
      %ne3A_189 = arith.constant 0 : i32
      %ne3A_190 = arith.cmpi ne, %rem3A_188, %ne3A_189 : i32
      %and3A_191 = arith.andi %ne3A_187, %ne3A_190 : i1
      %sub3A_192 = arith.constant 1 : i32
      %sub3A_193 = arith.subi %div3A_172, %sub3A_192 : i32
      %select_n3A_194 = arith.select %and3A_191, %sub3A_193, %div3A_172 : i32
      %add3A_195 = arith.addi %scan3A_166, %select_n3A_194 : i32
      %ge3A = vector.broadcast %add3A_195 : i32 to vector<512x128xi32>
      %ge3A_196 = arith.cmpi sge, %get3A_1, %ge3A : vector<512x128xi32>
      %convert_element_type3A_197 = arith.extui %ge3A_196 : vector<512x128xi1> to vector<512x128xi32>
      %reduce_sum3A_198 = vector.shape_cast %convert_element_type3A_197 : vector<512x128xi32> to vector<1x512x128xi32>
      %reduce_sum3A_199 = arith.constant dense<0> : vector<1xi32>
      %reduce_sum3A_200 = vector.multi_reduction <add>, %reduce_sum3A_198, %reduce_sum3A_199 [1, 2] : vector<1x512x128xi32> to vector<1xi32>
      %reduce_sum3A_201 = vector.shape_cast %reduce_sum3A_200 : vector<1xi32> to vector<1x1x1xi32>
      %reduce_sum3A_202 = vector.extract %reduce_sum3A_201[0, 0, 0] : i32 from vector<1x1x1xi32>
      %ge3A_203 = arith.constant 32768 : i32
      %ge3A_204 = arith.cmpi sge, %reduce_sum3A_202, %ge3A_203 : i32
      %select_n3A_205 = arith.select %ge3A_204, %add3A_195, %scan3A_166 : i32
      %ge3A_206 = arith.constant 32768 : i32
      %ge3A_207 = arith.cmpi sge, %reduce_sum3A_202, %ge3A_206 : i32
      %sub3A_208 = arith.constant 1 : i32
      %sub3A_209 = arith.subi %add3A_195, %sub3A_208 : i32
      %select_n3A_210 = arith.select %ge3A_207, %scan3A_167, %sub3A_209 : i32
      scf.yield %select_n3A_205, %select_n3A_210 : i32, i32
    }
    %gt3A = vector.broadcast %scan3A_7#0 : i32 to vector<512x128xi32>
    %gt3A_8 = arith.cmpi sgt, %get3A_1, %gt3A : vector<512x128xi32>
    %eq3A = vector.broadcast %scan3A_7#0 : i32 to vector<512x128xi32>
    %eq3A_9 = arith.cmpi eq, %get3A_1, %eq3A : vector<512x128xi32>
    %convert_element_type3A = arith.extui %gt3A_8 : vector<512x128xi1> to vector<512x128xi32>
    %reduce_sum3A = vector.shape_cast %convert_element_type3A : vector<512x128xi32> to vector<1x512x128xi32>
    %reduce_sum3A_10 = arith.constant dense<0> : vector<1xi32>
    %reduce_sum3A_11 = vector.multi_reduction <add>, %reduce_sum3A, %reduce_sum3A_10 [1, 2] : vector<1x512x128xi32> to vector<1xi32>
    %reduce_sum3A_12 = vector.shape_cast %reduce_sum3A_11 : vector<1xi32> to vector<1x1x1xi32>
    %reduce_sum3A_13 = vector.extract %reduce_sum3A_12[0, 0, 0] : i32 from vector<1x1x1xi32>
    %sub3A = arith.constant 32768 : i32
    %sub3A_14 = arith.subi %sub3A, %reduce_sum3A_13 : i32
    %convert_element_type3A_15 = arith.sitofp %sub3A_14 : i32 to f32
    %convert_element_type3A_16 = arith.extui %eq3A_9 : vector<512x128xi1> to vector<512x128xi32>
    %convert_element_type3A_17 = arith.sitofp %convert_element_type3A_16 : vector<512x128xi32> to vector<512x128xf32>
    %iota3A = tpu.iota {dimensions = array<i32: 0>} : vector<512x512xi32>
    %iota3A_18 = tpu.iota {dimensions = array<i32: 1>} : vector<512x512xi32>
    %lt3A = arith.cmpi slt, %iota3A_18, %iota3A : vector<512x512xi32>
    %convert_element_type3A_19 = arith.extui %lt3A : vector<512x512xi1> to vector<512x512xi32>
    %convert_element_type3A_20 = arith.sitofp %convert_element_type3A_19 : vector<512x512xi32> to vector<512x512xf32>
    %iota3A_21 = tpu.iota {dimensions = array<i32: 0>} : vector<128x128xi32>
    %iota3A_22 = tpu.iota {dimensions = array<i32: 1>} : vector<128x128xi32>
    %lt3A_23 = arith.cmpi slt, %iota3A_21, %iota3A_22 : vector<128x128xi32>
    %convert_element_type3A_24 = arith.extui %lt3A_23 : vector<128x128xi1> to vector<128x128xi32>
    %convert_element_type3A_25 = arith.sitofp %convert_element_type3A_24 : vector<128x128xi32> to vector<128x128xf32>
    %broadcast_in_dim3A = arith.constant 1.000000e+00 : f32
    %broadcast_in_dim3A_26 = vector.broadcast %broadcast_in_dim3A : f32 to vector<128x1xf32>
    %dot_general3A = arith.constant dense<0.000000e+00> : vector<512x1xf32>
    %dot_general3A_27 = tpu.matmul %convert_element_type3A_17, %broadcast_in_dim3A_26, %dot_general3A {dimension_numbers = #tpu.dot_dimension_numbers<[1], [0], [0], [1], [0, 0, 1, 1], [], []>, precision = #tpu.contract_precision<fp32>, transpose_lhs_hint = false} : vector<512x128xf32>, vector<128x1xf32>, vector<512x1xf32> -> vector<512x1xf32>
    %dot_general3A_28 = arith.constant dense<0.000000e+00> : vector<512x1xf32>
    %dot_general3A_29 = tpu.matmul %convert_element_type3A_20, %dot_general3A_27, %dot_general3A_28 {dimension_numbers = #tpu.dot_dimension_numbers<[1], [0], [0], [1], [0, 0, 1, 1], [], []>, precision = #tpu.contract_precision<fp32>, transpose_lhs_hint = false} : vector<512x512xf32>, vector<512x1xf32>, vector<512x1xf32> -> vector<512x1xf32>
    %dot_general3A_30 = arith.constant dense<0.000000e+00> : vector<512x128xf32>
    %dot_general3A_31 = tpu.matmul %convert_element_type3A_17, %convert_element_type3A_25, %dot_general3A_30 {dimension_numbers = #tpu.dot_dimension_numbers<[1], [0], [0], [1], [0, 0, 1, 1], [], []>, precision = #tpu.contract_precision<fp32>, transpose_lhs_hint = false} : vector<512x128xf32>, vector<128x128xf32>, vector<512x128xf32> -> vector<512x128xf32>
    %add3A = vector.broadcast %dot_general3A_29 : vector<512x1xf32> to vector<512x128xf32>
    %add3A_32 = arith.addf %add3A, %dot_general3A_31 : vector<512x128xf32>
    %lt3A_33 = vector.broadcast %convert_element_type3A_15 : f32 to vector<512x128xf32>
    %lt3A_34 = arith.cmpf olt, %add3A_32, %lt3A_33 : vector<512x128xf32>
    %and3A = arith.andi %eq3A_9, %lt3A_34 : vector<512x128xi1>
    %or3A = arith.ori %gt3A_8, %and3A : vector<512x128xi1>
    %convert_element_type3A_35 = arith.extui %or3A : vector<512x128xi1> to vector<512x128xi32>
    %swap3A = arith.constant 0 : index
    %swap3A_36 = arith.constant 0 : index
    %swap3A_37 = vector.load %arg1[%swap3A, %swap3A_36] : memref<512x128xi32, #tpu.memory_space<vmem>>, vector<512x128xi32>
    tpu.vector_store %arg1[%swap3A, %swap3A_36], %convert_element_type3A_35 {strides = array<i32>} : memref<512x128xi32, #tpu.memory_space<vmem>>, vector<512x128xi32>,
    %convert_element_type3A_38 = arith.extui %or3A : vector<512x128xi1> to vector<512x128xi32>
    %convert_element_type3A_39 = arith.sitofp %convert_element_type3A_38 : vector<512x128xi32> to vector<512x128xf32>
    %broadcast_in_dim3A_40 = arith.constant 1.000000e+00 : f32
    %broadcast_in_dim3A_41 = vector.broadcast %broadcast_in_dim3A_40 : f32 to vector<128x1xf32>
    %dot_general3A_42 = arith.constant dense<0.000000e+00> : vector<512x1xf32>
    %dot_general3A_43 = tpu.matmul %convert_element_type3A_39, %broadcast_in_dim3A_41, %dot_general3A_42 {dimension_numbers = #tpu.dot_dimension_numbers<[1], [0], [0], [1], [0, 0, 1, 1], [], []>, precision = #tpu.contract_precision<fp32>, transpose_lhs_hint = false} : vector<512x128xf32>, vector<128x1xf32>, vector<512x1xf32> -> vector<512x1xf32>
    %iota3A_44 = tpu.iota {dimensions = array<i32: 0>} : vector<64x512xi32>
    %iota3A_45 = tpu.iota {dimensions = array<i32: 1>} : vector<64x512xi32>
    %jit3A = arith.constant 8 : i32
    %div3A = vector.broadcast %jit3A : i32 to vector<64x512xi32>
    %div3A_46 = arith.divsi %iota3A_45, %div3A : vector<64x512xi32>
    %sign3A = arith.constant 0 : i32
    %sign3A_47 = vector.broadcast %sign3A : i32 to vector<64x512xi32>
    %sign3A_48 = arith.cmpi sgt, %iota3A_45, %sign3A_47 : vector<64x512xi32>
    %sign3A_49 = arith.extui %sign3A_48 : vector<64x512xi1> to vector<64x512xi32>
    %sign3A_50 = arith.constant 0 : i32
    %sign3A_51 = vector.broadcast %sign3A_50 : i32 to vector<64x512xi32>
    %sign3A_52 = arith.cmpi slt, %iota3A_45, %sign3A_51 : vector<64x512xi32>
    %sign3A_53 = arith.extui %sign3A_52 : vector<64x512xi1> to vector<64x512xi32>
    %sign3A_54 = arith.subi %sign3A_49, %sign3A_53 : vector<64x512xi32>
    %sign3A_55 = arith.constant 0 : i32
    %sign3A_56 = arith.cmpi sgt, %jit3A, %sign3A_55 : i32
    %sign3A_57 = arith.extui %sign3A_56 : i1 to i32
    %sign3A_58 = arith.constant 0 : i32
    %sign3A_59 = arith.cmpi slt, %jit3A, %sign3A_58 : i32
    %sign3A_60 = arith.extui %sign3A_59 : i1 to i32
    %sign3A_61 = arith.subi %sign3A_57, %sign3A_60 : i32
    %ne3A = vector.broadcast %sign3A_61 : i32 to vector<64x512xi32>
    %ne3A_62 = arith.cmpi ne, %sign3A_54, %ne3A : vector<64x512xi32>
    %rem3A = vector.broadcast %jit3A : i32 to vector<64x512xi32>
    %rem3A_63 = arith.remsi %iota3A_45, %rem3A : vector<64x512xi32>
    %ne3A_64 = arith.constant 0 : i32
    %ne3A_65 = vector.broadcast %ne3A_64 : i32 to vector<64x512xi32>
    %ne3A_66 = arith.cmpi ne, %rem3A_63, %ne3A_65 : vector<64x512xi32>
    %and3A_67 = arith.andi %ne3A_62, %ne3A_66 : vector<64x512xi1>
    %sub3A_68 = arith.constant 1 : i32
    %sub3A_69 = vector.broadcast %sub3A_68 : i32 to vector<64x512xi32>
    %sub3A_70 = arith.subi %div3A_46, %sub3A_69 : vector<64x512xi32>
    %select_n3A = arith.select %and3A_67, %sub3A_70, %div3A_46 : vector<64x512xi1>, vector<64x512xi32>
    %eq3A_71 = arith.cmpi eq, %select_n3A, %iota3A_44 : vector<64x512xi32>
    %convert_element_type3A_72 = arith.extui %eq3A_71 : vector<64x512xi1> to vector<64x512xi32>
    %convert_element_type3A_73 = arith.sitofp %convert_element_type3A_72 : vector<64x512xi32> to vector<64x512xf32>
    %dot_general3A_74 = arith.constant dense<0.000000e+00> : vector<64x1xf32>
    %dot_general3A_75 = tpu.matmul %convert_element_type3A_73, %dot_general3A_43, %dot_general3A_74 {dimension_numbers = #tpu.dot_dimension_numbers<[1], [0], [0], [1], [0, 0, 1, 1], [], []>, precision = #tpu.contract_precision<fp32>, transpose_lhs_hint = false} : vector<64x512xf32>, vector<512x1xf32>, vector<64x1xf32> -> vector<64x1xf32>
    %iota3A_76 = tpu.iota {dimensions = array<i32: 0>} : vector<64x64xi32>
    %iota3A_77 = tpu.iota {dimensions = array<i32: 1>} : vector<64x64xi32>
    %lt3A_78 = arith.cmpi slt, %iota3A_77, %iota3A_76 : vector<64x64xi32>
    %convert_element_type3A_79 = arith.extui %lt3A_78 : vector<64x64xi1> to vector<64x64xi32>
    %convert_element_type3A_80 = arith.sitofp %convert_element_type3A_79 : vector<64x64xi32> to vector<64x64xf32>
    %dot_general3A_81 = arith.constant dense<0.000000e+00> : vector<64x1xf32>
    %dot_general3A_82 = tpu.matmul %convert_element_type3A_80, %dot_general3A_75, %dot_general3A_81 {dimension_numbers = #tpu.dot_dimension_numbers<[1], [0], [0], [1], [0, 0, 1, 1], [], []>, precision = #tpu.contract_precision<fp32>, transpose_lhs_hint = false} : vector<64x64xf32>, vector<64x1xf32>, vector<64x1xf32> -> vector<64x1xf32>
    %convert_element_type3A_83 = arith.fptosi %dot_general3A_75 : vector<64x1xf32> to vector<64x1xi32>
    %swap3A_84 = arith.constant 0 : index
    %swap3A_85 = arith.constant 0 : index
    %swap3A_86 = vector.load %arg2[%swap3A_84, %swap3A_85] : memref<64x1xi32, #tpu.memory_space<vmem>>, vector<64x1xi32>
    tpu.vector_store %arg2[%swap3A_84, %swap3A_85], %convert_element_type3A_83 {strides = array<i32>} : memref<64x1xi32, #tpu.memory_space<vmem>>, vector<64x1xi32>,
    %iota3A_87 = tpu.iota {dimensions = array<i32: 0>} : vector<512x64xi32>
    %iota3A_88 = tpu.iota {dimensions = array<i32: 1>} : vector<512x64xi32>
    %jit3A_89 = arith.constant 8 : i32
    %div3A_90 = vector.broadcast %jit3A_89 : i32 to vector<512x64xi32>
    %div3A_91 = arith.divsi %iota3A_87, %div3A_90 : vector<512x64xi32>
    %sign3A_92 = arith.constant 0 : i32
    %sign3A_93 = vector.broadcast %sign3A_92 : i32 to vector<512x64xi32>
    %sign3A_94 = arith.cmpi sgt, %iota3A_87, %sign3A_93 : vector<512x64xi32>
    %sign3A_95 = arith.extui %sign3A_94 : vector<512x64xi1> to vector<512x64xi32>
    %sign3A_96 = arith.constant 0 : i32
    %sign3A_97 = vector.broadcast %sign3A_96 : i32 to vector<512x64xi32>
    %sign3A_98 = arith.cmpi slt, %iota3A_87, %sign3A_97 : vector<512x64xi32>
    %sign3A_99 = arith.extui %sign3A_98 : vector<512x64xi1> to vector<512x64xi32>
    %sign3A_100 = arith.subi %sign3A_95, %sign3A_99 : vector<512x64xi32>
    %sign3A_101 = arith.constant 0 : i32
    %sign3A_102 = arith.cmpi sgt, %jit3A_89, %sign3A_101 : i32
    %sign3A_103 = arith.extui %sign3A_102 : i1 to i32
    %sign3A_104 = arith.constant 0 : i32
    %sign3A_105 = arith.cmpi slt, %jit3A_89, %sign3A_104 : i32
    %sign3A_106 = arith.extui %sign3A_105 : i1 to i32
    %sign3A_107 = arith.subi %sign3A_103, %sign3A_106 : i32
    %ne3A_108 = vector.broadcast %sign3A_107 : i32 to vector<512x64xi32>
    %ne3A_109 = arith.cmpi ne, %sign3A_100, %ne3A_108 : vector<512x64xi32>
    %rem3A_110 = vector.broadcast %jit3A_89 : i32 to vector<512x64xi32>
    %rem3A_111 = arith.remsi %iota3A_87, %rem3A_110 : vector<512x64xi32>
    %ne3A_112 = arith.constant 0 : i32
    %ne3A_113 = vector.broadcast %ne3A_112 : i32 to vector<512x64xi32>
    %ne3A_114 = arith.cmpi ne, %rem3A_111, %ne3A_113 : vector<512x64xi32>
    %and3A_115 = arith.andi %ne3A_109, %ne3A_114 : vector<512x64xi1>
    %sub3A_116 = arith.constant 1 : i32
    %sub3A_117 = vector.broadcast %sub3A_116 : i32 to vector<512x64xi32>
    %sub3A_118 = arith.subi %div3A_91, %sub3A_117 : vector<512x64xi32>
    %select_n3A_119 = arith.select %and3A_115, %sub3A_118, %div3A_91 : vector<512x64xi1>, vector<512x64xi32>
    %eq3A_120 = arith.cmpi eq, %select_n3A_119, %iota3A_88 : vector<512x64xi32>
    %convert_element_type3A_121 = arith.extui %eq3A_120 : vector<512x64xi1> to vector<512x64xi32>
    %convert_element_type3A_122 = arith.sitofp %convert_element_type3A_121 : vector<512x64xi32> to vector<512x64xf32>
    %dot_general3A_123 = arith.constant dense<0.000000e+00> : vector<512x1xf32>
    %dot_general3A_124 = tpu.matmul %convert_element_type3A_122, %dot_general3A_75, %dot_general3A_123 {dimension_numbers = #tpu.dot_dimension_numbers<[1], [0], [0], [1], [0, 0, 1, 1], [], []>, precision = #tpu.contract_precision<fp32>, transpose_lhs_hint = false} : vector<512x64xf32>, vector<64x1xf32>, vector<512x1xf32> -> vector<512x1xf32>
    %dot_general3A_125 = arith.constant dense<0.000000e+00> : vector<512x1xf32>
    %dot_general3A_126 = tpu.matmul %convert_element_type3A_122, %dot_general3A_82, %dot_general3A_125 {dimension_numbers = #tpu.dot_dimension_numbers<[1], [0], [0], [1], [0, 0, 1, 1], [], []>, precision = #tpu.contract_precision<fp32>, transpose_lhs_hint = false} : vector<512x64xf32>, vector<64x1xf32>, vector<512x1xf32> -> vector<512x1xf32>
    %iota3A_127 = tpu.iota {dimensions = array<i32: 0>} : vector<512x128xi32>
    %jit3A_128 = arith.constant 8 : i32
    %eq3A_129 = arith.constant 0 : i32
    %eq3A_130 = arith.cmpi eq, %jit3A_128, %eq3A_129 : i32
    %jit3A_131 = arith.constant 1 : i32
    %select_n3A_132 = arith.select %eq3A_130, %jit3A_131, %jit3A_128 : i32
    %rem3A_133 = vector.broadcast %select_n3A_132 : i32 to vector<512x128xi32>
    %rem3A_134 = arith.remsi %iota3A_127, %rem3A_133 : vector<512x128xi32>
    %ne3A_135 = arith.constant 0 : i32
    %ne3A_136 = vector.broadcast %ne3A_135 : i32 to vector<512x128xi32>
    %ne3A_137 = arith.cmpi ne, %rem3A_134, %ne3A_136 : vector<512x128xi32>
    %lt3A_138 = arith.constant 0 : i32
    %lt3A_139 = vector.broadcast %lt3A_138 : i32 to vector<512x128xi32>
    %lt3A_140 = arith.cmpi slt, %rem3A_134, %lt3A_139 : vector<512x128xi32>
    %lt3A_141 = arith.constant 0 : i32
    %lt3A_142 = arith.cmpi slt, %select_n3A_132, %lt3A_141 : i32
    %ne3A_143 = vector.broadcast %lt3A_142 : i1 to vector<512x128xi1>
    %ne3A_144 = vector.broadcast %ne3A_143 : vector<512x128xi1> to vector<512x128xi1>
    %ne3A_145 = arith.xori %lt3A_140, %ne3A_144 : vector<512x128xi1>
    %and3A_146 = arith.andi %ne3A_145, %ne3A_137 : vector<512x128xi1>
    %add3A_147 = vector.broadcast %select_n3A_132 : i32 to vector<512x128xi32>
    %add3A_148 = arith.addi %rem3A_134, %add3A_147 : vector<512x128xi32>
    %select_n3A_149 = arith.select %and3A_146, %add3A_148, %rem3A_134 : vector<512x128xi1>, vector<512x128xi32>
    %iota3A_150 = tpu.iota {dimensions = array<i32: 1>} : vector<512x128xi32>
    %mul3A = arith.constant 128 : i32
    %mul3A_151 = vector.broadcast %mul3A : i32 to vector<512x128xi32>
    %mul3A_152 = arith.muli %select_n3A_149, %mul3A_151 : vector<512x128xi32>
    %add3A_153 = arith.addi %mul3A_152, %iota3A_150 : vector<512x128xi32>
    %convert_element_type3A_154 = arith.fptosi %dot_general3A_126 : vector<512x1xf32> to vector<512x1xi32>
    %convert_element_type3A_155 = arith.fptosi %dot_general3A_124 : vector<512x1xf32> to vector<512x1xi32>
    %sub3A_156 = arith.constant 1 : i32
    %sub3A_157 = vector.broadcast %sub3A_156 : i32 to vector<512x1xi32>
    %sub3A_158 = arith.subi %convert_element_type3A_155, %sub3A_157 : vector<512x1xi32>
    %min3A = vector.broadcast %sub3A_158 : vector<512x1xi32> to vector<512x128xi32>
    %min3A_159 = arith.minsi %add3A_153, %min3A : vector<512x128xi32>
    %add3A_160 = vector.broadcast %convert_element_type3A_154 : vector<512x1xi32> to vector<512x128xi32>
    %add3A_161 = arith.addi %add3A_160, %min3A_159 : vector<512x128xi32>
    %swap3A_162 = arith.constant 0 : index
    %swap3A_163 = arith.constant 0 : index
    %swap3A_164 = vector.load %arg3[%swap3A_162, %swap3A_163] : memref<512x128xi32, #tpu.memory_space<vmem>>, vector<512x128xi32>
    tpu.vector_store %arg3[%swap3A_162, %swap3A_163], %add3A_161 {strides = array<i32>} : memref<512x128xi32, #tpu.memory_space<vmem>>, vector<512x128xi32>,
    return
  }
}

</mosaic_0001>

<sc_bundles>
// kernel: kernel.5.cloned.1.call-start
scs
__scs_entry_jumppad:
0x0: {  	(pc) =	sbr.rel $0x88, $3  }
0x1: {  	(tag) =	ssettag $0x0;
	lr =	simm.s32 $0x1  }
0x2: {  	[smem:$0x3FA0] =	sst lr;
	_ =	strace $0xD0000000  }
0x3: {  	_ = 	snop  }
0x4: {  	_ = 	snop  }
0x5: {  	_ = 	snop  }
0x6: {  	_ = 	snop  }
0x7: {  	_ = 	snop  }
__scs_overlays_trampoline_lowered:
0x8: {  	[smem:$0x3FAF] =	sst s0  }
0x9: {  	[smem:$0x3FB0] =	sst s1  }
0xa: {  	[smem:$0x3FB1] =	sst s2  }
0xb: {  	[smem:$0x3FB2] =	sst s3  }
0xc: {  	[smem:$0x3FB3] =	sst s4  }
0xd: {  	[smem:$0x3FB4] =	sst s5  }
0xe: {  	[smem:$0x3FB5] =	sst s6  }
0xf: {  	[smem:$0x3FB6] =	sst s7  }
0x10: {  	[smem:$0x3FB7] =	sst s8  }
0x11: {  	[smem:$0x3FB8] =	sst s9;
	s0 =	simm.s32 @!p0 $0x0  }
0x12: {  	s1 =	sld [smem:$0x3F9E];
	s0 =	simm.s32 @p0 $0x1  }
0x13: {  	[smem:$0x3FB9] =	sst s0;
	s0 =	simm.s32 @!p1 $0x0  }
0x14: {  	s2 =	sld [smem:$0x3F9D];
	s0 =	simm.s32 @p1 $0x1  }
0x15: {  	[smem:$0x3FBA] =	sst s0;
	s0 =	simm.s32 @!p2 $0x0  }
0x16: {  	s3 =	sld [smem:$0x3FDB];
	s0 =	simm.s32 @p2 $0x1  }
0x17: {  	s4 =	simm.s32 $0x1BF5;
	[smem:$0x3FBC] =	sst s0  }
0x18: {  	s0 =	sld [smem:$0x3F9F];
	_ =	swait.ge [sflag:s4], $0x0  }
0x19: {  	s7 =	sld [smem:$0x3FA0]  }
0x1a: {  	s8 =	sadd.s32 $0xFFFFE003, lr  }
0x1b: {  	s9 =	sadd.s32 $0xFFFFFEF7, lr;
	s5 =	simm.s32 $0xFFFFFFFF;
	p2 =	slt.u32 s8, $0xFFFFF086  }
0x1c: {  	p1 =	slt.u32 s9, $0xF7A;
	s5 =	simm.s32 @!p2 $0x0  }
0x1d: {  	s5 =	simm.s32 @p1 $0x1;
	p0 =	seq.s32 s7, s2  }
0x1e: {  	s7 =	smul.u32 @!p0 $0xF7A, s2;
	p2 =	seq.s32 @!p0 s5, $0x0  }
0x1f: {  	s9 =	smul.u32 $0xF7A, s1;
	s8 =	simm.s32 @!p0 $0x1BF5;
	p2 =	por !p2, p0  }
0x20: {  	[sflag:s8] =	ssyncset.s32 @!p0 $0xFFFFF086;
	s6 =	sadd.s32 @!p0 s3, s7;
	s7 =	simm.s32 @!p0 $0x108  }
0x21: {  	s3 =	sadd.s32 s3, s9;
	s6 =	sadd.s32 @!p0 $0x88, s6;
	s7 =	simm.s32 @p2 $0x1082  }
0x22: {  	[simem:s7], [sflag:s8] =	dma.local @!p0 [hbm:s6], $0xF7A  }
0x23: {  	s9 =	sor.u32 $0xD0000000, s2;
	s6 =	simm.s32 $0x108;
	_ =	swait.ge @!p0 [sflag:s8], $0x0  }
0x24: {  	s3 =	sadd.s32 $0x88, s3;
	s6 =	simm.s32 @!p1 $0x1082;
	[sflag:s4] =	ssyncset.s32 $0xFFFFF086  }
0x25: {  	[simem:s6], [sflag:s4] =	dma.local [hbm:s3], $0xF7A  }
0x26: {  	[smem:$0x3FA0] =	sst s1;
	(tag) =	ssettag s2;
	_ =	strace s9  }
0x27: {  	s1 =	sld [smem:$0x3FB0]  }
0x28: {  	s2 =	sld [smem:$0x3FB1]  }
0x29: {  	s4 =	sld [smem:$0x3FB3]  }
0x2a: {  	p0 =	seq.s32 s5, $0x0;
	s5 =	sld [smem:$0x3FB4]  }
0x2b: {  	s6 =	sld [smem:$0x3FB5]  }
0x2c: {  	s7 =	sld [smem:$0x3FB6]  }
0x2d: {  	s3 =	simm.s32 $0x108;
	s8 =	sld [smem:$0x3FB7]  }
0x2e: {  	s3 =	simm.s32 @!p0 $0x1082;
	s9 =	sld [smem:$0x3FB8]  }
0x2f: {  	lr =	sadd.s32 s0, s3;
	s0 =	sld [smem:$0x3FAF]  }
0x30: {  	s3 =	sld [smem:$0x3FB2]  }
0x31: {  	[smem:$0x3FBB] =	sst s10  }
0x32: {  	s10 =	sld [smem:$0x3FB9];
	_ =	sdelay $0x3  }
0x33: {  	p0 =	seq.s32 s10, $0x1;
	s10 =	sld [smem:$0x3FBB];
	_ =	sdelay $0x3  }
0x34: {  	[smem:$0x3FBB] =	sst s10  }
0x35: {  	s10 =	sld [smem:$0x3FBA];
	_ =	sdelay $0x3  }
0x36: {  	p1 =	seq.s32 s10, $0x1;
	s10 =	sld [smem:$0x3FBB];
	_ =	sdelay $0x3  }
0x37: {  	[smem:$0x3FBB] =	sst s10  }
0x38: {  	s10 =	sld [smem:$0x3FBC]  }
0x39: {  	_ = 	snop;
	(pc) =	sbr.ind lr, $3  }
0x3a: {  	_ = 	snop  }
0x3b: {  	_ = 	snop  }
0x3c: {  	p2 =	seq.s32 s10, $0x1;
	s10 =	sld [smem:$0x3FBB]  }
0x3d: {  	_ =	shalt  }
0x3e: {  	_ =	shalt  }
0x3f: {  	_ =	shalt  }
0x40: {  	_ =	shalt  }
0x41: {  	_ =	shalt  }
0x42: {  	_ =	shalt  }
0x43: {  	_ =	shalt  }
0x44: {  	_ =	shalt  }
0x45: {  	_ =	shalt  }
0x46: {  	_ =	shalt  }
0x47: {  	_ =	shalt  }
0x48: {  	_ =	shalt  }
0x49: {  	_ =	shalt  }
0x4a: {  	_ =	shalt  }
0x4b: {  	_ =	shalt  }
0x4c: {  	_ =	shalt  }
0x4d: {  	_ =	shalt  }
0x4e: {  	_ =	shalt  }
0x4f: {  	_ =	shalt  }
0x50: {  	_ =	shalt  }
0x51: {  	_ =	shalt  }
0x52: {  	_ =	shalt  }
0x53: {  	_ =	shalt  }
0x54: {  	_ =	shalt  }
0x55: {  	_ =	shalt  }
0x56: {  	_ =	shalt  }
0x57: {  	_ =	shalt  }
0x58: {  	_ =	shalt  }
0x59: {  	_ =	shalt  }
0x5a: {  	_ =	shalt  }
0x5b: {  	_ =	shalt  }
0x5c: {  	_ =	shalt  }
0x5d: {  	_ =	shalt  }
0x5e: {  	_ =	shalt  }
0x5f: {  	_ =	shalt  }
0x60: {  	_ =	shalt  }
0x61: {  	_ =	shalt  }
0x62: {  	_ =	shalt  }
0x63: {  	_ =	shalt  }
0x64: {  	_ =	shalt  }
0x65: {  	_ =	shalt  }
0x66: {  	_ =	shalt  }
0x67: {  	_ =	shalt  }
0x68: {  	_ =	shalt  }
0x69: {  	_ =	shalt  }
0x6a: {  	_ =	shalt  }
0x6b: {  	_ =	shalt  }
0x6c: {  	_ =	shalt  }
0x6d: {  	_ =	shalt  }
0x6e: {  	_ =	shalt  }
0x6f: {  	_ =	shalt  }
0x70: {  	_ =	shalt  }
0x71: {  	_ =	shalt  }
0x72: {  	_ =	shalt  }
0x73: {  	_ =	shalt  }
0x74: {  	_ =	shalt  }
0x75: {  	_ =	shalt  }
0x76: {  	_ =	shalt  }
0x77: {  	_ =	shalt  }
0x78: {  	_ =	shalt  }
0x79: {  	_ =	shalt  }
0x7a: {  	_ =	shalt  }
0x7b: {  	_ =	shalt  }
0x7c: {  	_ =	shalt  }
0x7d: {  	_ =	shalt  }
0x7e: {  	_ =	shalt  }
0x7f: {  	_ =	shalt  }
0x80: {  	_ =	shalt  }
0x81: {  	_ =	shalt  }
0x82: {  	_ =	shalt  }
0x83: {  	_ =	shalt  }
0x84: {  	_ =	shalt  }
0x85: {  	_ =	shalt  }
0x86: {  	_ =	shalt  }
0x87: {  	_ =	shalt  }
.Lfunc_end0:
.L_simem_size_0:
called_computation_lowered:
.L_overlay_start_0:
0x88: {  	s2 =	sld [smem:$0x3FD9]  }
0x89: {  	s3 =	sld [smem:$0x3FFE];
	_ =	sdelay $0x1  }
0x8a: {  	s1 =	srdreg.scid  }
0x8b: {  	s0 =	sand.u32 $0x1, s1  }
0x8c: {  	s14 =	sshll.u32 s0, $0xA;
	s2 =	sadd.s32 s3, s2  }
0x8d: {  	s2 =	sadd.s32 s2, s14  }
0x8e: {  	[smem:$0x3FC7] =	sst s2  }
0x8f: {  	_ = 	snop  }
0x90: {  	s2 =	sld [smem:$0x3FD0];
	_ =	sdelay $0x2  }
0x91: {  	s4 =	simm.s32 $0xA;
	s5 =	simm.s32 $0x10;
	s15 =	sld [smem:$0x3FC9]  }
0x92: {  	[smem:s5], [sflag:s4] =	dma.local [hbm:s2], $0x1  }
0x93: {  	_ =	swait.eq [sflag:s4], $0x1  }
0x94: {  	[sflag:s4] =	ssyncset.done $0x0  }
0x95: {  	[sflag:s4] =	ssyncadd.s32 $0xFFFFFFFF  }
0x96: {  	s16 =	sld [smem:$0x10];
	(tm) =	ssettm $0x1  }
0x97: {  	s17 =	sld [smem:$0x3FFB];
	_ =	sdelay $0x3  }
0x98: {  	_ =	strace s17  }
0x99: {  	s4 =	sld [smem:$0x3FFC];
	_ =	sdelay $0x3  }
0x9a: {  	_ =	strace s4  }
0x9b: {  	s4 =	sld [smem:$0x3FFD];
	_ =	sdelay $0x3  }
0x9c: {  	_ =	strace s4  }
0x9d: {  	_ =	strace $0x8FFFFFFF  }
0x9e: {  	s18 =	sld [smem:$0x3FDB];
	_ =	sdelay $0x1  }
0x9f: {  	s19 =	simm.s32 $_scs_section_size  }
0xa0: {  	s6 =	simm.s32 $_size__tile_overlayer_lowered;
	s7 =	simm.s32 $_tile_overlayer_lowered  }
0xa1: {  	s22 =	simm.s32 $0x1BFF;
	s21 =	sshll.u32 s7, $0x1;
	s4 =	sadd.s32 s19, s18  }
0xa2: {  	s8 =	simm.s32 $0x0;
	s20 =	sshll.u32 s6, $0x1;
	s6 =	sadd.s32 s21, s4  }
0xa3: {  	[timem:s8], [sflag:s22] =	dma.local [hbm:s6], s20  }
0xa4: {  	_ =	swait.ge [sflag:s22], s20  }
0xa5: {  	s5 =	ssub.s32 $0x0, s20;
	[sflag:s22] =	ssyncset.done $0x0  }
0xa6: {  	[sflag:s22] =	ssyncadd.s32 s5;
	_ =	sdelay $0x1  }
0xa7: {  	s23 =	simm.s32 $0x1B8B  }
0xa8: {  	_ =	swait.ge [sflag:s23], $0x1  }
0xa9: {  	[sflag:s23] =	ssyncset.done $0x0  }
0xaa: {  	s25 =	simm.s32 $0x1B8E;
	s24 =	sld [smem:$0x3FFE];
	[sflag:s23] =	ssyncadd.s32 $0xFFFFFFFF  }
0xab: {  	s26 =	simm.s32 $execute0_lowered;
	[smem:$0x3FD2] =	sst s25  }
0xac: {  	s6 =	sshll.u32 s26, $0x1;
	_ =	strace $0x80000046;
	[dreg:$0x1] =	wrdreg $0xFFFFFFFF  }
0xad: {  	s28 =	simm.s32 $_size_execute0_lowered;
	s4 =	sadd.s32 s4, s6;
	[dreg:$0x0] =	wrdreg $0x0  }
0xae: {  	s6 =	sshll.u32 s28, $0x1;
	[dreg:$0x2] =	wrdreg s4  }
0xaf: {  	[dreg:$0x3] =	wrdreg s6  }
0xb0: {  	[dreg:$0x4] =	wrdreg $0xC0  }
0xb1: {  	_ =	task [dreg:s8], $0x5FFFF  }
0xb2: {  	[dreg:$0x1] =	wrdreg $0xFFFFFFFF  }
0xb3: {  	[dreg:$0x0] =	wrdreg $0x60  }
0xb4: {  	[dreg:$0x2] =	wrdreg s15  }
0xb5: {  	[dreg:$0x3] =	wrdreg s24  }
0xb6: {  	[dreg:$0x4] =	wrdreg s16  }
0xb7: {  	[dreg:$0x5] =	wrdreg $0x9  }
0xb8: {  	_ =	task.clear_ibuf [dreg:s8], $0x6FFFF;
	_ =	strace $0x90000046  }
0xb9: {  	s29 =	simm.s32 $0x9;
	_ =	strace $0x80000048  }
0xba: {  	_ =	swait.ge [sflag:s29], $0x1  }
0xbb: {  	[sflag:s29] =	ssyncadd.s32 $0xFFFFFFFF  }
0xbc: {  	_ =	strace $0x90000048  }
0xbd: {  	_ =	sfence  }
0xbe: {  	s30 =	sld [smem:$0x0];
	_ =	sdelay $0x2  }
0xbf: {  	s31 =	sshll.u32 s1, $0xD;
	s1 =	sshrl.u32 s1, $0x2  }
0xc0: {  	s3 =	sand.u32 $0x4000, s31;
	s1 =	sadd.s32 s1, s30  }
0xc1: {  	s0 =	sor.u32 s3, s0;
	s1 =	sshll.u32 s1, $0x11  }
0xc2: {  	s0 =	sor.u32 s1, s0  }
0xc3: {  	s0 =	sadd.s32 $0x8F2B, s0  }
0xc4: {  	[sflag:s0] =	ssyncadd.remote.s32 $0x1  }
0xc5: {  	_ =	sfence.sel $0xFFFF  }
0xc6: {  	[dreg:$0x0] =	wrdreg $0xFFFFFFFF;
	(pc) =	sbr.abs _section_cstart, $3  }
0xc7: {  	[dreg:$0x1] =	wrdreg $0xFFFFFFFF  }
0xc8: {  	_ =	task.clear_ibuf [dreg:s8], $0x2FFFF;
	_ =	strace $0x9FFFFFFF  }
0xc9: {  	(tm) =	ssettm $0x7FFFFFFF  }
tec
execute0_lowered:
.L_overlay_start_1:
0x0: {  	(tag) =	ssettag $0x1  }
0x1: {  	s1 =	rddreg [dreg:$0x0]  }
0x2: {  	s0 =	rddreg [dreg:$0x1]  }
0x3: {  	s3 =	rddreg [dreg:$0x2];
	s4 =	simm.s32 $0x0;
	s2 =	srdreg.scid  }
0x4: {  	s15 =	stileid.u32;
	[smem:$0x7FF] =	sst s4;
	s2 =	sand.u32 $0x1, s2  }
0x5: {  	s5 =	sshll.u32 s15, $0x1;
	s13 =	sadd.s32 $0x2400, s0;
	s9 =	sadd.s32 $0x300, s1  }
0x6: {  	s10 =	sadd.s32 $0x100, s3;
	s15 =	sshll.u32 s15, $0xC;
	_ =	strace $0x80000047  }
0x7: {  	s6 =	ssub.s32 $0x2, s2;
	s5 =	sor.u32 s2, s5;
	s2 =	sshll.u32 s2, $0xB  }
0x8: {  	s7 =	sshrl.u32 s6, $0x1;
	s8 =	sshll.u32 s5, $0x8;
	s28 =	sshll.u32 s5, $0x9  }
0x9: {  	s5 =	sshllo.u32 s5, $0x1;
	s30 =	sor.u32 s2, s15;
	s6 =	ssub.s32 s6, s7  }
0xa: {  	s26 =	sadd.s32 s0, s8;
	s7 =	sadd.s32 s13, s28;
	[dreg:$0x8] =	wrdreg s30  }
0xb: {  	s14 =	sshll.u32 s5, $0x7;
	s5 =	sshll.u32 s5, $0x8;
	[dreg:$0x4] =	wrdreg s26  }
.Ltmp0:
0xc: {  	[dreg:$0x5] =	wrdreg s7;
	s0 =	sadd.s32 s0, s14;
	(pc) =	sbr.rel .LBB2_1-.Ltmp0, $4  }
0xd: {  	s11 =	sadd.s32 $0x200, s3;
	s29 =	sadd.s32 s13, s5;
	[dreg:$0x6] =	wrdreg s0  }
0xe: {  	v0 =	vlaneseq.u32;
	s12 =	sadd.s32 $0x300, s3;
	s31 =	smax.u32 s6, $0x1;
	[dreg:$0x7] =	wrdreg s29  }
0xf: {  	v1 =	vimm.s32 $0x0;
	vm0 =	vmmov $0xffff;
	v3 =	vshrl.u32 v0, $0x3;
	s8 =	sadd.s32 $0x200, s1;
	[dreg:$0x9] =	wrdreg s31;
	s0 =	sor.u32 $0x400, s30  }
0x10: {  	v2 =	vand.u32 $0x7, v0;
	v4 =	vor.u32 $0x8, v0;
	v3 =	vmul.u32 $0x8, v3;
	s7 =	sadd.s32 $0x100, s1;
	[dreg:$0xa] =	wrdreg s0;
	s0 =	simm.s32 $0x0  }
.LBB2_11:
0x11: {  	s0 =	rddreg [dreg:$0xb]  }
0x12: {  	s2 =	rddreg [dreg:$0x9];
	s0 =	sadd.s32 $0x1, s0  }
0x13: {  	p0 =	sne.s32 s0, s2  }
.Ltmp1:
0x14: {  	_ = 	snop;
	(pc) =	sbr.rel @!p0 .LBB2_12-.Ltmp1, $1  }
0x15: {  	_ =	sdelay $0x3  }
.LBB2_1:
0x16: {  	[tilespmem:$0x400] =	vst v1  }
0x17: {  	[tilespmem:$0x410] =	vst v1  }
0x18: {  	[tilespmem:$0x420] =	vst v1  }
0x19: {  	[tilespmem:$0x430] =	vst v1  }
0x1a: {  	[tilespmem:$0x440] =	vst v1  }
0x1b: {  	[tilespmem:$0x450] =	vst v1  }
0x1c: {  	[tilespmem:$0x460] =	vst v1  }
0x1d: {  	[tilespmem:$0x470] =	vst v1  }
0x1e: {  	[tilespmem:$0x480] =	vst v1  }
0x1f: {  	[tilespmem:$0x490] =	vst v1  }
0x20: {  	[tilespmem:$0x4A0] =	vst v1  }
0x21: {  	[tilespmem:$0x4B0] =	vst v1  }
0x22: {  	[tilespmem:$0x4C0] =	vst v1  }
0x23: {  	[tilespmem:$0x4D0] =	vst v1  }
0x24: {  	[tilespmem:$0x4E0] =	vst v1  }
0x25: {  	[tilespmem:$0x4F0] =	vst v1  }
0x26: {  	[tilespmem:$0x500] =	vst v1  }
0x27: {  	[tilespmem:$0x510] =	vst v1  }
0x28: {  	[tilespmem:$0x520] =	vst v1  }
0x29: {  	[tilespmem:$0x530] =	vst v1  }
0x2a: {  	[tilespmem:$0x540] =	vst v1  }
0x2b: {  	[tilespmem:$0x550] =	vst v1  }
0x2c: {  	[tilespmem:$0x560] =	vst v1  }
0x2d: {  	[tilespmem:$0x570] =	vst v1  }
0x2e: {  	[tilespmem:$0x580] =	vst v1  }
0x2f: {  	[tilespmem:$0x590] =	vst v1  }
0x30: {  	[tilespmem:$0x5A0] =	vst v1  }
0x31: {  	[tilespmem:$0x5B0] =	vst v1  }
0x32: {  	[tilespmem:$0x5C0] =	vst v1  }
0x33: {  	[tilespmem:$0x5D0] =	vst v1  }
0x34: {  	[tilespmem:$0x5E0] =	vst v1  }
0x35: {  	[tilespmem:$0x5F0] =	vst v1  }
0x36: {  	[tilespmem:$0x600] =	vst v1  }
0x37: {  	[tilespmem:$0x610] =	vst v1  }
0x38: {  	[tilespmem:$0x620] =	vst v1  }
0x39: {  	[tilespmem:$0x630] =	vst v1  }
0x3a: {  	[tilespmem:$0x640] =	vst v1  }
0x3b: {  	[tilespmem:$0x650] =	vst v1  }
0x3c: {  	[tilespmem:$0x660] =	vst v1  }
0x3d: {  	[tilespmem:$0x670] =	vst v1  }
0x3e: {  	[tilespmem:$0x680] =	vst v1  }
0x3f: {  	[tilespmem:$0x690] =	vst v1  }
0x40: {  	[tilespmem:$0x6A0] =	vst v1  }
0x41: {  	[tilespmem:$0x6B0] =	vst v1  }
0x42: {  	[tilespmem:$0x6C0] =	vst v1  }
0x43: {  	[tilespmem:$0x6D0] =	vst v1  }
0x44: {  	[tilespmem:$0x6E0] =	vst v1  }
0x45: {  	[tilespmem:$0x6F0] =	vst v1  }
0x46: {  	[tilespmem:$0x700] =	vst v1  }
0x47: {  	[tilespmem:$0x710] =	vst v1  }
0x48: {  	[tilespmem:$0x720] =	vst v1  }
0x49: {  	[tilespmem:$0x730] =	vst v1  }
0x4a: {  	[tilespmem:$0x740] =	vst v1  }
0x4b: {  	[tilespmem:$0x750] =	vst v1  }
0x4c: {  	[tilespmem:$0x760] =	vst v1  }
0x4d: {  	[tilespmem:$0x770] =	vst v1  }
0x4e: {  	[tilespmem:$0x780] =	vst v1  }
0x4f: {  	[tilespmem:$0x790] =	vst v1  }
0x50: {  	[tilespmem:$0x7A0] =	vst v1  }
0x51: {  	[tilespmem:$0x7B0] =	vst v1  }
0x52: {  	[tilespmem:$0x7C0] =	vst v1  }
0x53: {  	[tilespmem:$0x7D0] =	vst v1  }
0x54: {  	[tilespmem:$0x7E0] =	vst v1  }
0x55: {  	[tilespmem:$0x7F0] =	vst v1  }
0x56: {  	[tilespmem:$0x800] =	vst v1  }
0x57: {  	[tilespmem:$0x810] =	vst v1  }
0x58: {  	[dreg:$0xb] =	wrdreg s0;
	[tilespmem:$0x820] =	vst v1  }
0x59: {  	[tilespmem:$0x830] =	vst v1;
	s2 =	rddreg [dreg:$0x4];
	s5 =	simm.s32 $0x3  }
0x5a: {  	[tilespmem:s4], [sflag:$0x3] =	stream.linear.gather [hbm4b:s2+s4], $0x400, $0x38;
	[tilespmem:$0x11080] =	vst v63  }
0x5b: {  	_ =	swait.ge [sflag:s5], $0x400  }
0x5c: {  	[sflag:s5] =	ssyncset.done $0x0  }
0x5d: {  	s6 =	simm.s32 $0x880;
	s30 =	rddreg [dreg:$0x5];
	[sflag:s5] =	ssyncadd.s32 $0xFFFFFC00  }
0x5e: {  	[tilespmem:s6], [sflag:$0x3] =	stream.linear.gather [hbm4b:s30+s4], $0x800, $0x38;
	[tilespmem:$0x11080] =	vst v63  }
0x5f: {  	_ =	swait.ge [sflag:s5], $0x800  }
0x60: {  	[sflag:s5] =	ssyncset.done $0x0  }
0x61: {  	s31 =	simm.s32 $0x0;
	[sflag:s5] =	ssyncadd.s32 $0xFFFFF800  }
0x62: {  	v5 =	vld [tilespmem:s31+$0x0];
	_ =	sdelay $0x4  }
0x63: {  	vm1 =	vne.s32 v5, $0x0  }
0x64: {  	v5 =	vsel vm1, $0x1, v1  }
0x65: {  	(xrf0) =	vadd.scan.msk.s32 $0xffff, v5;
	_ =	sdelay $0x5  }
0x66: {  	s2 =	rddreg [dreg:$0x8];
	v5, _, _ =	vpop (xrf0)  }
0x67: {  	v6 =	vor.u32 s2, v0;
	(v2sf) =	vpush v5, $0xF  }
0x68: {  	s19 =	simm.s32 $0x10;
	s6 =	simm.s32 $0x80;
	s5 =	simm.s32 $0x0;
	[tilespmem:s4+$0x400] =	vst.msk vm1, v6  }
.LBB2_2:
0x69: {  	p0 =	sne.s32 s6, $0xFC0;
	v5 =	vld [tilespmem:s19+$0x0];
	_ =	sdelay $0x4  }
0x6a: {  	vm1 =	vne.s32 v5, $0x0  }
0x6b: {  	v5 =	vsel vm1, $0x1, v1  }
0x6c: {  	(xrf0) =	vadd.scan.msk.s32 $0xffff, v5;
	_ =	sdelay $0x3  }
.Ltmp2:
0x6d: {  	(pc) =	sbr.rel @p0 .LBB2_2-.Ltmp2, $4  }
0x6e: {  	_ = 	snop  }
0x6f: {  	s2 =	sadd.s32 $0x10, s2;
	v5, _, _ =	vpop (xrf0);
	s19 =	spop (v2sf)  }
0x70: {  	v6 =	vor.u32 s2, v0;
	(v2sf) =	vpush v5, $0xF;
	s5 =	sadd.s32 s5, s19  }
0x71: {  	s19 =	sshra.s32 s6, $0x2;
	s6 =	sadd.s32 $0x40, s6;
	[tilespmem:s5+$0x400] =	vst.msk vm1, v6  }
0x72: {  	v5 =	vld [tilespmem:s19+$0x0];
	_ =	sdelay $0x4  }
0x73: {  	vm1 =	vne.s32 v5, $0x0  }
0x74: {  	v5 =	vsel vm1, $0x1, v1  }
0x75: {  	(xrf0) =	vadd.scan.msk.s32 $0xffff, v5;
	_ =	sdelay $0x5  }
0x76: {  	v5, _, _ =	vpop (xrf0)  }
0x77: {  	(v2sf) =	vpush v5, $0xF;
	_ =	sdelay $0xd  }
0x78: {  	s6 =	spop (v2sf)  }
0x79: {  	s2 =	sadd.s32 $0x10, s2;
	s5 =	sadd.s32 s5, s6;
	s31 =	spop (v2sf)  }
0x7a: {  	v5 =	vor.u32 s2, v0;
	s6 =	sadd.s32 s5, s31  }
0x7b: {  	[tilespmem:s5+$0x400] =	vst.msk vm1, v5;
	p0 =	slt.s32 s6, $0x1  }
0x7c: {  	v5 =	vld @!p0 [tilespmem:s6+$0x3FF];
	_ =	sdelay $0x3  }
0x7d: {  	vm1 =	vmmov @!p0 $0x1;
	s2 =	sadd.s32 @!p0 $0x3F, s6  }
0x7e: {  	s5 =	sand.u32 @!p0 $0x3F, s2;
	v5 =	vnsel @!p0 vm1, $0x0, v5  }
0x7f: {  	p1 =	slt.s32 @!p0 s2, $0x0;
	p2 =	sne.s32 @!p0 s5, $0x0;
	(xrf0) =	vadd.scan.msk.s32 @!p0 $0xffff, v5  }
0x80: {  	s5 =	sshra.s32 @!p0 s2, $0x1F;
	p1 =	por @!p0 !p1, !p2  }
0x81: {  	s5 =	sshrl.u32 @!p0 s5, $0x1A;
	p1 =	por @!p0 !p1, !p1  }
0x82: {  	s2 =	sadd.s32 @!p0 s5, s2;
	s5 =	simm.s32 @!p0 $0x1;
	p1 =	por !p1, p0  }
0x83: {  	s2 =	sshra.s32 @!p0 s2, $0x6;
	s5 =	simm.s32 @p1 $0x0  }
0x84: {  	s2 =	ssub.s32 @!p0 s2, s5  }
0x85: {  	p1 =	slt.s32 @!p0 s2, $0x1;
	v5, _, _ =	vpop @!p0 (xrf0)  }
0x86: {  	p1 =	por p0, p1;
	v5 =	vbroadcast @!p0 v5, $0xF  }
.Ltmp3:
0x87: {  	_ = 	snop;
	(pc) =	sbr.rel @p1 .LBB2_6-.Ltmp3, $4  }
0x88: {  	[tilespmem:s6+$0x400] =	vst @!p0 v5  }
0x89: {  	[tilespmem:s6+$0x410] =	vst @!p0 v5  }
0x8a: {  	[tilespmem:s6+$0x420] =	vst @!p0 v5  }
0x8b: {  	s26 =	simm.s32 $0x1;
	s28 =	simm.s32 $0x2;
	[tilespmem:s6+$0x430] =	vst @!p0 v5  }
0x8c: {  	s5 =	simm.s32 @!p0 $0x420;
	s6 =	simm.s32 @!p0 $0x8A0  }
.LBB2_5:
0x8d: {  	v5 =	vld [tilespmem:s5+$0xFFFFFFE0];
	_ =	sdelay $0x4  }
0x8e: {  	v6 =	vshll.u32 v5, $0x3  }
0x8f: {  	v5 =	vand.u32 $0x7, v5;
	v6 =	vand.u32 $0xFFFFFFC0, v6  }
0x90: {  	v5 =	vor.u32 v5, v6  }
0x91: {  	v6 =	vperm.xlane v5, v2;
	_ =	sdelay $0x1  }
0x92: {  	v6 =	vadd.s32 v3, v6;
	_ =	sdelay $0x3  }
0x93: {  	s29 =	simm.s32 $0x1080  }
0x94: {  	[tilespmem:s29], [sflag:$0x1] =	stream.indirect_vreg.gather [hbm4b:s1+s4], $0x80, v6, vm0, $0xb8;
	[tilespmem:$0x11080] =	vst v63  }
0x95: {  	s30 =	simm.s32 $0x1880;
	v5 =	vperm.xlane v5, v4  }
0x96: {  	[tilespmem:s30], [sflag:$0x1] =	stream.indirect_vreg.gather [hbm4b:s7+s4], $0x80, v6, vm0, $0xb8;
	[tilespmem:$0x11080] =	vst v63  }
0x97: {  	v5 =	vadd.s32 v3, v5;
	s30 =	simm.s32 $0x2080  }
0x98: {  	[tilespmem:s30], [sflag:$0x1] =	stream.indirect_vreg.gather [hbm4b:s8+s4], $0x80, v6, vm0, $0xb8;
	[tilespmem:$0x11080] =	vst v63  }
0x99: {  	s31 =	simm.s32 $0x2880  }
0x9a: {  	[tilespmem:s31], [sflag:$0x1] =	stream.indirect_vreg.gather [hbm4b:s9+s4], $0x80, v6, vm0, $0xb8;
	[tilespmem:$0x11080] =	vst v63  }
0x9b: {  	s31 =	simm.s32 $0x3080  }
0x9c: {  	[tilespmem:s31], [sflag:$0x1] =	stream.indirect_vreg.gather [hbm4b:s1+s4], $0x80, v5, vm0, $0xb8;
	[tilespmem:$0x11080] =	vst v63  }
0x9d: {  	s0 =	simm.s32 $0x3880  }
0x9e: {  	[tilespmem:s0], [sflag:$0x1] =	stream.indirect_vreg.gather [hbm4b:s7+s4], $0x80, v5, vm0, $0xb8;
	[tilespmem:$0x11080] =	vst v63  }
0x9f: {  	s19 =	simm.s32 $0x4080  }
0xa0: {  	[tilespmem:s19], [sflag:$0x1] =	stream.indirect_vreg.gather [hbm4b:s8+s4], $0x80, v5, vm0, $0xb8;
	[tilespmem:$0x11080] =	vst v63  }
0xa1: {  	s19 =	simm.s32 $0x4880  }
0xa2: {  	[tilespmem:s19], [sflag:$0x1] =	stream.indirect_vreg.gather [hbm4b:s9+s4], $0x80, v5, vm0, $0xb8;
	[tilespmem:$0x11080] =	vst v63  }
0xa3: {  	v5 =	vld [tilespmem:s5+$0xFFFFFFF0];
	_ =	sdelay $0x4  }
0xa4: {  	v6 =	vshll.u32 v5, $0x3  }
0xa5: {  	v5 =	vand.u32 $0x7, v5;
	v6 =	vand.u32 $0xFFFFFFC0, v6  }
0xa6: {  	v5 =	vor.u32 v5, v6  }
0xa7: {  	v6 =	vperm.xlane v5, v2;
	_ =	sdelay $0x1  }
0xa8: {  	v6 =	vadd.s32 v3, v6;
	_ =	sdelay $0x3  }
0xa9: {  	s13 =	simm.s32 $0x5080  }
0xaa: {  	[tilespmem:s13], [sflag:$0x1] =	stream.indirect_vreg.gather [hbm4b:s1+s4], $0x80, v6, vm0, $0xb8;
	[tilespmem:$0x11080] =	vst v63  }
0xab: {  	v5 =	vperm.xlane v5, v4;
	s13 =	simm.s32 $0x5880  }
0xac: {  	[tilespmem:s13], [sflag:$0x1] =	stream.indirect_vreg.gather [hbm4b:s7+s4], $0x80, v6, vm0, $0xb8;
	[tilespmem:$0x11080] =	vst v63  }
0xad: {  	s14 =	simm.s32 $0x6080;
	v5 =	vadd.s32 v3, v5  }
0xae: {  	[tilespmem:s14], [sflag:$0x1] =	stream.indirect_vreg.gather [hbm4b:s8+s4], $0x80, v6, vm0, $0xb8;
	[tilespmem:$0x11080] =	vst v63  }
0xaf: {  	s14 =	simm.s32 $0x6880  }
0xb0: {  	[tilespmem:s14], [sflag:$0x1] =	stream.indirect_vreg.gather [hbm4b:s9+s4], $0x80, v6, vm0, $0xb8;
	[tilespmem:$0x11080] =	vst v63  }
0xb1: {  	s16 =	simm.s32 $0x7080  }
0xb2: {  	[tilespmem:s16], [sflag:$0x1] =	stream.indirect_vreg.gather [hbm4b:s1+s4], $0x80, v5, vm0, $0xb8;
	[tilespmem:$0x11080] =	vst v63  }
0xb3: {  	s16 =	simm.s32 $0x7880  }
0xb4: {  	[tilespmem:s16], [sflag:$0x1] =	stream.indirect_vreg.gather [hbm4b:s7+s4], $0x80, v5, vm0, $0xb8;
	[tilespmem:$0x11080] =	vst v63  }
0xb5: {  	s17 =	simm.s32 $0x8080  }
0xb6: {  	[tilespmem:s17], [sflag:$0x1] =	stream.indirect_vreg.gather [hbm4b:s8+s4], $0x80, v5, vm0, $0xb8;
	[tilespmem:$0x11080] =	vst v63  }
0xb7: {  	s17 =	simm.s32 $0x8880  }
0xb8: {  	[tilespmem:s17], [sflag:$0x1] =	stream.indirect_vreg.gather [hbm4b:s9+s4], $0x80, v5, vm0, $0xb8;
	[tilespmem:$0x11080] =	vst v63  }
0xb9: {  	v5 =	vld [tilespmem:s5+$0x0];
	_ =	sdelay $0x4  }
0xba: {  	v6 =	vshll.u32 v5, $0x3  }
0xbb: {  	v5 =	vand.u32 $0x7, v5;
	v6 =	vand.u32 $0xFFFFFFC0, v6  }
0xbc: {  	v5 =	vor.u32 v5, v6  }
0xbd: {  	v6 =	vperm.xlane v5, v2;
	_ =	sdelay $0x1  }
0xbe: {  	v6 =	vadd.s32 v3, v6;
	_ =	sdelay $0x3  }
0xbf: {  	s15 =	simm.s32 $0x9080  }
0xc0: {  	[tilespmem:s15], [sflag:$0x1] =	stream.indirect_vreg.gather [hbm4b:s1+s4], $0x80, v6, vm0, $0xb8;
	[tilespmem:$0x11080] =	vst v63  }
0xc1: {  	v5 =	vperm.xlane v5, v4;
	s15 =	simm.s32 $0x9880  }
0xc2: {  	[tilespmem:s15], [sflag:$0x1] =	stream.indirect_vreg.gather [hbm4b:s7+s4], $0x80, v6, vm0, $0xb8;
	[tilespmem:$0x11080] =	vst v63  }
0xc3: {  	s18 =	simm.s32 $0xA080;
	v5 =	vadd.s32 v3, v5  }
0xc4: {  	[tilespmem:s18], [sflag:$0x1] =	stream.indirect_vreg.gather [hbm4b:s8+s4], $0x80, v6, vm0, $0xb8;
	[tilespmem:$0x11080] =	vst v63  }
0xc5: {  	s18 =	simm.s32 $0xA880  }
0xc6: {  	[tilespmem:s18], [sflag:$0x1] =	stream.indirect_vreg.gather [hbm4b:s9+s4], $0x80, v6, vm0, $0xb8;
	[tilespmem:$0x11080] =	vst v63  }
0xc7: {  	s20 =	simm.s32 $0xB080  }
0xc8: {  	[tilespmem:s20], [sflag:$0x1] =	stream.indirect_vreg.gather [hbm4b:s1+s4], $0x80, v5, vm0, $0xb8;
	[tilespmem:$0x11080] =	vst v63  }
0xc9: {  	s20 =	simm.s32 $0xB880  }
0xca: {  	[tilespmem:s20], [sflag:$0x1] =	stream.indirect_vreg.gather [hbm4b:s7+s4], $0x80, v5, vm0, $0xb8;
	[tilespmem:$0x11080] =	vst v63  }
0xcb: {  	s21 =	simm.s32 $0xC080  }
0xcc: {  	[tilespmem:s21], [sflag:$0x1] =	stream.indirect_vreg.gather [hbm4b:s8+s4], $0x80, v5, vm0, $0xb8;
	[tilespmem:$0x11080] =	vst v63  }
0xcd: {  	s21 =	simm.s32 $0xC880  }
0xce: {  	[tilespmem:s21], [sflag:$0x1] =	stream.indirect_vreg.gather [hbm4b:s9+s4], $0x80, v5, vm0, $0xb8;
	[tilespmem:$0x11080] =	vst v63  }
0xcf: {  	v5 =	vld [tilespmem:s5+$0x10];
	_ =	sdelay $0x4  }
0xd0: {  	v6 =	vshll.u32 v5, $0x3  }
0xd1: {  	v5 =	vand.u32 $0x7, v5;
	v6 =	vand.u32 $0xFFFFFFC0, v6  }
0xd2: {  	v5 =	vor.u32 v5, v6  }
0xd3: {  	v6 =	vperm.xlane v5, v2;
	_ =	sdelay $0x1  }
0xd4: {  	v6 =	vadd.s32 v3, v6;
	_ =	sdelay $0x3  }
0xd5: {  	s22 =	simm.s32 $0xD080  }
0xd6: {  	[tilespmem:s22], [sflag:$0x1] =	stream.indirect_vreg.gather [hbm4b:s1+s4], $0x80, v6, vm0, $0xb8;
	[tilespmem:$0x11080] =	vst v63  }
0xd7: {  	v5 =	vperm.xlane v5, v4;
	s22 =	simm.s32 $0xD880  }
0xd8: {  	[tilespmem:s22], [sflag:$0x1] =	stream.indirect_vreg.gather [hbm4b:s7+s4], $0x80, v6, vm0, $0xb8;
	[tilespmem:$0x11080] =	vst v63  }
0xd9: {  	s23 =	simm.s32 $0xE080;
	v5 =	vadd.s32 v3, v5  }
0xda: {  	[tilespmem:s23], [sflag:$0x1] =	stream.indirect_vreg.gather [hbm4b:s8+s4], $0x80, v6, vm0, $0xb8;
	[tilespmem:$0x11080] =	vst v63  }
0xdb: {  	s23 =	simm.s32 $0xE880  }
0xdc: {  	[tilespmem:s23], [sflag:$0x1] =	stream.indirect_vreg.gather [hbm4b:s9+s4], $0x80, v6, vm0, $0xb8;
	[tilespmem:$0x11080] =	vst v63  }
0xdd: {  	s24 =	simm.s32 $0xF080  }
0xde: {  	[tilespmem:s24], [sflag:$0x1] =	stream.indirect_vreg.gather [hbm4b:s1+s4], $0x80, v5, vm0, $0xb8;
	[tilespmem:$0x11080] =	vst v63  }
0xdf: {  	s24 =	simm.s32 $0xF880  }
0xe0: {  	[tilespmem:s24], [sflag:$0x1] =	stream.indirect_vreg.gather [hbm4b:s7+s4], $0x80, v5, vm0, $0xb8;
	[tilespmem:$0x11080] =	vst v63  }
0xe1: {  	s25 =	simm.s32 $0x10080  }
0xe2: {  	[tilespmem:s25], [sflag:$0x1] =	stream.indirect_vreg.gather [hbm4b:s8+s4], $0x80, v5, vm0, $0xb8;
	[tilespmem:$0x11080] =	vst v63  }
0xe3: {  	s25 =	simm.s32 $0x10880  }
0xe4: {  	[tilespmem:s25], [sflag:$0x1] =	stream.indirect_vreg.gather [hbm4b:s9+s4], $0x80, v5, vm0, $0xb8;
	[tilespmem:$0x11080] =	vst v63  }
0xe5: {  	_ =	swait.ge [sflag:s26], $0x10000  }
0xe6: {  	[sflag:s26] =	ssyncset.done $0x0  }
0xe7: {  	[sflag:s26] =	ssyncadd.s32 $0xFFFF0000  }
0xe8: {  	v5 =	vld [tilespmem:s6+$0xFFFFFFE0];
	_ =	sdelay $0x4  }
0xe9: {  	v6 =	vshll.u32 v5, $0x3  }
0xea: {  	v5 =	vand.u32 $0x7, v5;
	v6 =	vand.u32 $0xFFFFFFC0, v6  }
0xeb: {  	v5 =	vor.u32 v5, v6  }
0xec: {  	v6 =	vperm.xlane v5, v2;
	_ =	sdelay $0x1  }
0xed: {  	v6 =	vadd.s32 v3, v6;
	_ =	sdelay $0x4  }
0xee: {  	[hbm4b:s3+s4] =	stream.indirect_vreg.scatter [tilespmem:s29], [sflag:$0x2], $0x80, v6, vm0, $0xb8;
	[tilespmem:$0x11080] =	vst v63  }
0xef: {  	s0 =	simm.s32 $0x1880;
	v5 =	vperm.xlane v5, v4  }
0xf0: {  	[hbm4b:s10+s4] =	stream.indirect_vreg.scatter [tilespmem:s0], [sflag:$0x2], $0x80, v6, vm0, $0xb8;
	[tilespmem:$0x11080] =	vst v63  }
0xf1: {  	v5 =	vadd.s32 v3, v5  }
0xf2: {  	[hbm4b:s11+s4] =	stream.indirect_vreg.scatter [tilespmem:s30], [sflag:$0x2], $0x80, v6, vm0, $0xb8;
	[tilespmem:$0x11080] =	vst v63  }
0xf3: {  	s0 =	simm.s32 $0x2880  }
0xf4: {  	[hbm4b:s12+s4] =	stream.indirect_vreg.scatter [tilespmem:s0], [sflag:$0x2], $0x80, v6, vm0, $0xb8;
	[tilespmem:$0x11080] =	vst v63  }
0xf5: {  	_ = 	snop  }
0xf6: {  	[hbm4b:s3+s4] =	stream.indirect_vreg.scatter [tilespmem:s31], [sflag:$0x2], $0x80, v5, vm0, $0xb8;
	[tilespmem:$0x11080] =	vst v63  }
0xf7: {  	s30 =	simm.s32 $0x3880  }
0xf8: {  	[hbm4b:s10+s4] =	stream.indirect_vreg.scatter [tilespmem:s30], [sflag:$0x2], $0x80, v5, vm0, $0xb8;
	[tilespmem:$0x11080] =	vst v63  }
0xf9: {  	s31 =	simm.s32 $0x4080  }
0xfa: {  	[hbm4b:s11+s4] =	stream.indirect_vreg.scatter [tilespmem:s31], [sflag:$0x2], $0x80, v5, vm0, $0xb8;
	[tilespmem:$0x11080] =	vst v63  }
0xfb: {  	_ = 	snop  }
0xfc: {  	[hbm4b:s12+s4] =	stream.indirect_vreg.scatter [tilespmem:s19], [sflag:$0x2], $0x80, v5, vm0, $0xb8;
	[tilespmem:$0x11080] =	vst v63  }
0xfd: {  	v5 =	vld [tilespmem:s6+$0xFFFFFFF0];
	_ =	sdelay $0x4  }
0xfe: {  	v6 =	vshll.u32 v5, $0x3  }
0xff: {  	v5 =	vand.u32 $0x7, v5;
	v6 =	vand.u32 $0xFFFFFFC0, v6  }
0x100: {  	v5 =	vor.u32 v5, v6  }
0x101: {  	v6 =	vperm.xlane v5, v2;
	_ =	sdelay $0x1  }
0x102: {  	v6 =	vadd.s32 v3, v6;
	_ =	sdelay $0x3  }
0x103: {  	s29 =	simm.s32 $0x5080  }
0x104: {  	[hbm4b:s3+s4] =	stream.indirect_vreg.scatter [tilespmem:s29], [sflag:$0x2], $0x80, v6, vm0, $0xb8;
	[tilespmem:$0x11080] =	vst v63  }
0x105: {  	v5 =	vperm.xlane v5, v4  }
0x106: {  	[hbm4b:s10+s4] =	stream.indirect_vreg.scatter [tilespmem:s13], [sflag:$0x2], $0x80, v6, vm0, $0xb8;
	[tilespmem:$0x11080] =	vst v63  }
0x107: {  	s30 =	simm.s32 $0x6080;
	v5 =	vadd.s32 v3, v5  }
0x108: {  	[hbm4b:s11+s4] =	stream.indirect_vreg.scatter [tilespmem:s30], [sflag:$0x2], $0x80, v6, vm0, $0xb8;
	[tilespmem:$0x11080] =	vst v63  }
0x109: {  	_ = 	snop  }
0x10a: {  	[hbm4b:s12+s4] =	stream.indirect_vreg.scatter [tilespmem:s14], [sflag:$0x2], $0x80, v6, vm0, $0xb8;
	[tilespmem:$0x11080] =	vst v63  }
0x10b: {  	s31 =	simm.s32 $0x7080  }
0x10c: {  	[hbm4b:s3+s4] =	stream.indirect_vreg.scatter [tilespmem:s31], [sflag:$0x2], $0x80, v5, vm0, $0xb8;
	[tilespmem:$0x11080] =	vst v63  }
0x10d: {  	_ = 	snop  }
0x10e: {  	[hbm4b:s10+s4] =	stream.indirect_vreg.scatter [tilespmem:s16], [sflag:$0x2], $0x80, v5, vm0, $0xb8;
	[tilespmem:$0x11080] =	vst v63  }
0x10f: {  	s13 =	simm.s32 $0x8080  }
0x110: {  	[hbm4b:s11+s4] =	stream.indirect_vreg.scatter [tilespmem:s13], [sflag:$0x2], $0x80, v5, vm0, $0xb8;
	[tilespmem:$0x11080] =	vst v63  }
0x111: {  	_ = 	snop  }
0x112: {  	[hbm4b:s12+s4] =	stream.indirect_vreg.scatter [tilespmem:s17], [sflag:$0x2], $0x80, v5, vm0, $0xb8;
	[tilespmem:$0x11080] =	vst v63  }
0x113: {  	v5 =	vld [tilespmem:s6+$0x0];
	_ =	sdelay $0x4  }
0x114: {  	v6 =	vshll.u32 v5, $0x3  }
0x115: {  	v5 =	vand.u32 $0x7, v5;
	v6 =	vand.u32 $0xFFFFFFC0, v6  }
0x116: {  	v5 =	vor.u32 v5, v6  }
0x117: {  	v6 =	vperm.xlane v5, v2;
	_ =	sdelay $0x1  }
0x118: {  	v6 =	vadd.s32 v3, v6;
	_ =	sdelay $0x3  }
0x119: {  	s14 =	simm.s32 $0x9080  }
0x11a: {  	[hbm4b:s3+s4] =	stream.indirect_vreg.scatter [tilespmem:s14], [sflag:$0x2], $0x80, v6, vm0, $0xb8;
	[tilespmem:$0x11080] =	vst v63  }
0x11b: {  	v5 =	vperm.xlane v5, v4  }
0x11c: {  	[hbm4b:s10+s4] =	stream.indirect_vreg.scatter [tilespmem:s15], [sflag:$0x2], $0x80, v6, vm0, $0xb8;
	[tilespmem:$0x11080] =	vst v63  }
0x11d: {  	s16 =	simm.s32 $0xA080;
	v5 =	vadd.s32 v3, v5  }
0x11e: {  	[hbm4b:s11+s4] =	stream.indirect_vreg.scatter [tilespmem:s16], [sflag:$0x2], $0x80, v6, vm0, $0xb8;
	[tilespmem:$0x11080] =	vst v63  }
0x11f: {  	_ = 	snop  }
0x120: {  	[hbm4b:s12+s4] =	stream.indirect_vreg.scatter [tilespmem:s18], [sflag:$0x2], $0x80, v6, vm0, $0xb8;
	[tilespmem:$0x11080] =	vst v63  }
0x121: {  	s17 =	simm.s32 $0xB080  }
0x122: {  	[hbm4b:s3+s4] =	stream.indirect_vreg.scatter [tilespmem:s17], [sflag:$0x2], $0x80, v5, vm0, $0xb8;
	[tilespmem:$0x11080] =	vst v63  }
0x123: {  	_ = 	snop  }
0x124: {  	[hbm4b:s10+s4] =	stream.indirect_vreg.scatter [tilespmem:s20], [sflag:$0x2], $0x80, v5, vm0, $0xb8;
	[tilespmem:$0x11080] =	vst v63  }
0x125: {  	s19 =	simm.s32 $0xC080  }
0x126: {  	[hbm4b:s11+s4] =	stream.indirect_vreg.scatter [tilespmem:s19], [sflag:$0x2], $0x80, v5, vm0, $0xb8;
	[tilespmem:$0x11080] =	vst v63  }
0x127: {  	_ = 	snop  }
0x128: {  	[hbm4b:s12+s4] =	stream.indirect_vreg.scatter [tilespmem:s21], [sflag:$0x2], $0x80, v5, vm0, $0xb8;
	[tilespmem:$0x11080] =	vst v63  }
0x129: {  	v5 =	vld [tilespmem:s6+$0x10];
	_ =	sdelay $0x4  }
0x12a: {  	v6 =	vshll.u32 v5, $0x3  }
0x12b: {  	v5 =	vand.u32 $0x7, v5;
	v6 =	vand.u32 $0xFFFFFFC0, v6  }
0x12c: {  	v5 =	vor.u32 v5, v6  }
0x12d: {  	v6 =	vperm.xlane v5, v2;
	_ =	sdelay $0x1  }
0x12e: {  	v6 =	vadd.s32 v3, v6;
	_ =	sdelay $0x3  }
0x12f: {  	s20 =	simm.s32 $0xD080  }
0x130: {  	[hbm4b:s3+s4] =	stream.indirect_vreg.scatter [tilespmem:s20], [sflag:$0x2], $0x80, v6, vm0, $0xb8;
	[tilespmem:$0x11080] =	vst v63  }
0x131: {  	v5 =	vperm.xlane v5, v4  }
0x132: {  	[hbm4b:s10+s4] =	stream.indirect_vreg.scatter [tilespmem:s22], [sflag:$0x2], $0x80, v6, vm0, $0xb8;
	[tilespmem:$0x11080] =	vst v63  }
0x133: {  	s29 =	simm.s32 $0xE080;
	v5 =	vadd.s32 v3, v5  }
0x134: {  	[hbm4b:s11+s4] =	stream.indirect_vreg.scatter [tilespmem:s29], [sflag:$0x2], $0x80, v6, vm0, $0xb8;
	[tilespmem:$0x11080] =	vst v63  }
0x135: {  	_ = 	snop  }
0x136: {  	[hbm4b:s12+s4] =	stream.indirect_vreg.scatter [tilespmem:s23], [sflag:$0x2], $0x80, v6, vm0, $0xb8;
	[tilespmem:$0x11080] =	vst v63  }
0x137: {  	s30 =	simm.s32 $0xF080  }
0x138: {  	[hbm4b:s3+s4] =	stream.indirect_vreg.scatter [tilespmem:s30], [sflag:$0x2], $0x80, v5, vm0, $0xb8;
	[tilespmem:$0x11080] =	vst v63  }
0x139: {  	_ = 	snop  }
0x13a: {  	[hbm4b:s10+s4] =	stream.indirect_vreg.scatter [tilespmem:s24], [sflag:$0x2], $0x80, v5, vm0, $0xb8;
	[tilespmem:$0x11080] =	vst v63  }
0x13b: {  	p0 =	sne.s32 s2, $0x1;
	s31 =	simm.s32 $0x10080  }
0x13c: {  	[hbm4b:s11+s4] =	stream.indirect_vreg.scatter [tilespmem:s31], [sflag:$0x2], $0x80, v5, vm0, $0xb8;
	[tilespmem:$0x11080] =	vst v63  }
.Ltmp4:
0x13d: {  	_ = 	snop;
	(pc) =	sbr.rel @p0 .LBB2_5-.Ltmp4, $4  }
0x13e: {  	[hbm4b:s12+s4] =	stream.indirect_vreg.scatter [tilespmem:s25], [sflag:$0x2], $0x80, v5, vm0, $0xb8;
	[tilespmem:$0x11080] =	vst v63  }
0x13f: {  	_ =	swait.ge [sflag:s28], $0x10000  }
0x140: {  	s2 =	sadd.s32 $0xFFFFFFFF, s2;
	[sflag:s28] =	ssyncset.done $0x0  }
0x141: {  	s5 =	sadd.s32 $0x40, s5;
	s6 =	sadd.s32 $0x80, s6;
	[sflag:s28] =	ssyncadd.s32 $0xFFFF0000  }
.LBB2_6:
0x142: {  	s2 =	simm.s32 $0x0;
	s5 =	rddreg [dreg:$0x6];
	s6 =	simm.s32 $0x3  }
0x143: {  	[tilespmem:s2], [sflag:$0x3] =	stream.linear.gather [hbm4b:s5+s2], $0x400, $0x38;
	[tilespmem:$0x11080] =	vst v63  }
0x144: {  	_ =	swait.ge [sflag:s6], $0x400  }
0x145: {  	[sflag:s6] =	ssyncset.done $0x0  }
0x146: {  	s19 =	simm.s32 $0x880;
	s30 =	rddreg [dreg:$0x7];
	[sflag:s6] =	ssyncadd.s32 $0xFFFFFC00  }
0x147: {  	[tilespmem:s19], [sflag:$0x3] =	stream.linear.gather [hbm4b:s30+s2], $0x800, $0x38;
	[tilespmem:$0x11080] =	vst v63  }
0x148: {  	_ =	swait.ge [sflag:s6], $0x800  }
0x149: {  	[sflag:s6] =	ssyncset.done $0x0  }
0x14a: {  	s31 =	simm.s32 $0x0;
	[sflag:s6] =	ssyncadd.s32 $0xFFFFF800  }
0x14b: {  	v5 =	vld [tilespmem:s31+$0x0];
	_ =	sdelay $0x4  }
0x14c: {  	vm1 =	vne.s32 v5, $0x0  }
0x14d: {  	v5 =	vsel vm1, $0x1, v1  }
0x14e: {  	(xrf0) =	vadd.scan.msk.s32 $0xffff, v5;
	_ =	sdelay $0x5  }
0x14f: {  	s5 =	rddreg [dreg:$0xa];
	v5, _, _ =	vpop (xrf0)  }
0x150: {  	v6 =	vor.u32 s5, v0;
	(v2sf) =	vpush v5, $0xF  }
0x151: {  	s19 =	simm.s32 $0x10;
	s6 =	simm.s32 $0x80;
	[tilespmem:s2+$0x400] =	vst.msk vm1, v6  }
.LBB2_7:
0x152: {  	p0 =	sne.s32 s6, $0xFC0;
	v5 =	vld [tilespmem:s19+$0x0];
	_ =	sdelay $0x4  }
0x153: {  	vm1 =	vne.s32 v5, $0x0  }
0x154: {  	v5 =	vsel vm1, $0x1, v1  }
0x155: {  	(xrf0) =	vadd.scan.msk.s32 $0xffff, v5;
	_ =	sdelay $0x3  }
.Ltmp5:
0x156: {  	(pc) =	sbr.rel @p0 .LBB2_7-.Ltmp5, $4  }
0x157: {  	_ = 	snop  }
0x158: {  	s5 =	sadd.s32 $0x10, s5;
	v5, _, _ =	vpop (xrf0);
	s19 =	spop (v2sf)  }
0x159: {  	v6 =	vor.u32 s5, v0;
	(v2sf) =	vpush v5, $0xF;
	s2 =	sadd.s32 s2, s19  }
0x15a: {  	s19 =	sshra.s32 s6, $0x2;
	s6 =	sadd.s32 $0x40, s6;
	[tilespmem:s2+$0x400] =	vst.msk vm1, v6  }
0x15b: {  	v5 =	vld [tilespmem:s19+$0x0];
	_ =	sdelay $0x4  }
0x15c: {  	vm1 =	vne.s32 v5, $0x0  }
0x15d: {  	v5 =	vsel vm1, $0x1, v1  }
0x15e: {  	(xrf0) =	vadd.scan.msk.s32 $0xffff, v5;
	_ =	sdelay $0x5  }
0x15f: {  	v5, _, _ =	vpop (xrf0)  }
0x160: {  	(v2sf) =	vpush v5, $0xF;
	_ =	sdelay $0xd  }
0x161: {  	s6 =	spop (v2sf)  }
0x162: {  	s5 =	sadd.s32 $0x10, s5;
	s2 =	sadd.s32 s2, s6;
	s31 =	spop (v2sf)  }
0x163: {  	v5 =	vor.u32 s5, v0;
	s5 =	sadd.s32 s2, s31  }
0x164: {  	[tilespmem:s2+$0x400] =	vst.msk vm1, v5;
	p0 =	slt.s32 s5, $0x1  }
0x165: {  	v5 =	vld @!p0 [tilespmem:s5+$0x3FF];
	_ =	sdelay $0x3  }
0x166: {  	vm1 =	vmmov @!p0 $0x1;
	s2 =	sadd.s32 @!p0 $0x3F, s5  }
0x167: {  	s6 =	sand.u32 @!p0 $0x3F, s2;
	v5 =	vnsel @!p0 vm1, $0x0, v5  }
0x168: {  	p1 =	slt.s32 @!p0 s2, $0x0;
	p2 =	sne.s32 @!p0 s6, $0x0;
	(xrf0) =	vadd.scan.msk.s32 @!p0 $0xffff, v5  }
0x169: {  	s6 =	sshra.s32 @!p0 s2, $0x1F;
	p1 =	por @!p0 !p1, !p2  }
0x16a: {  	s6 =	sshrl.u32 @!p0 s6, $0x1A;
	p1 =	por @!p0 !p1, !p1  }
0x16b: {  	s2 =	sadd.s32 @!p0 s6, s2;
	s6 =	simm.s32 @!p0 $0x1;
	p1 =	por !p1, p0  }
0x16c: {  	s2 =	sshra.s32 @!p0 s2, $0x6;
	s6 =	simm.s32 @p1 $0x0  }
0x16d: {  	s2 =	ssub.s32 @!p0 s2, s6  }
0x16e: {  	p1 =	slt.s32 @!p0 s2, $0x1;
	v5, _, _ =	vpop @!p0 (xrf0)  }
0x16f: {  	p1 =	por p0, p1;
	v5 =	vbroadcast @!p0 v5, $0xF  }
.Ltmp6:
0x170: {  	_ = 	snop;
	(pc) =	sbr.rel @p1 .LBB2_11-.Ltmp6, $4  }
0x171: {  	[tilespmem:s5+$0x400] =	vst @!p0 v5  }
0x172: {  	[tilespmem:s5+$0x410] =	vst @!p0 v5  }
0x173: {  	[tilespmem:s5+$0x420] =	vst @!p0 v5  }
0x174: {  	s26 =	simm.s32 $0x1;
	s28 =	simm.s32 $0x2;
	[tilespmem:s5+$0x430] =	vst @!p0 v5  }
0x175: {  	s5 =	simm.s32 @!p0 $0x420;
	s6 =	simm.s32 @!p0 $0x8A0  }
.LBB2_10:
0x176: {  	v5 =	vld [tilespmem:s5+$0xFFFFFFE0];
	_ =	sdelay $0x4  }
0x177: {  	v6 =	vshll.u32 v5, $0x3  }
0x178: {  	v5 =	vand.u32 $0x7, v5;
	v6 =	vand.u32 $0xFFFFFFC0, v6  }
0x179: {  	v5 =	vor.u32 v5, v6  }
0x17a: {  	v6 =	vperm.xlane v5, v2;
	_ =	sdelay $0x1  }
0x17b: {  	v6 =	vadd.s32 v3, v6;
	_ =	sdelay $0x3  }
0x17c: {  	s29 =	simm.s32 $0x1080  }
0x17d: {  	[tilespmem:s29], [sflag:$0x1] =	stream.indirect_vreg.gather [hbm4b:s1+s4], $0x80, v6, vm0, $0xb8;
	[tilespmem:$0x11080] =	vst v63  }
0x17e: {  	s30 =	simm.s32 $0x1880;
	v5 =	vperm.xlane v5, v4  }
0x17f: {  	[tilespmem:s30], [sflag:$0x1] =	stream.indirect_vreg.gather [hbm4b:s7+s4], $0x80, v6, vm0, $0xb8;
	[tilespmem:$0x11080] =	vst v63  }
0x180: {  	v5 =	vadd.s32 v3, v5;
	s30 =	simm.s32 $0x2080  }
0x181: {  	[tilespmem:s30], [sflag:$0x1] =	stream.indirect_vreg.gather [hbm4b:s8+s4], $0x80, v6, vm0, $0xb8;
	[tilespmem:$0x11080] =	vst v63  }
0x182: {  	s31 =	simm.s32 $0x2880  }
0x183: {  	[tilespmem:s31], [sflag:$0x1] =	stream.indirect_vreg.gather [hbm4b:s9+s4], $0x80, v6, vm0, $0xb8;
	[tilespmem:$0x11080] =	vst v63  }
0x184: {  	s31 =	simm.s32 $0x3080  }
0x185: {  	[tilespmem:s31], [sflag:$0x1] =	stream.indirect_vreg.gather [hbm4b:s1+s4], $0x80, v5, vm0, $0xb8;
	[tilespmem:$0x11080] =	vst v63  }
0x186: {  	s0 =	simm.s32 $0x3880  }
0x187: {  	[tilespmem:s0], [sflag:$0x1] =	stream.indirect_vreg.gather [hbm4b:s7+s4], $0x80, v5, vm0, $0xb8;
	[tilespmem:$0x11080] =	vst v63  }
0x188: {  	s19 =	simm.s32 $0x4080  }
0x189: {  	[tilespmem:s19], [sflag:$0x1] =	stream.indirect_vreg.gather [hbm4b:s8+s4], $0x80, v5, vm0, $0xb8;
	[tilespmem:$0x11080] =	vst v63  }
0x18a: {  	s19 =	simm.s32 $0x4880  }
0x18b: {  	[tilespmem:s19], [sflag:$0x1] =	stream.indirect_vreg.gather [hbm4b:s9+s4], $0x80, v5, vm0, $0xb8;
	[tilespmem:$0x11080] =	vst v63  }
0x18c: {  	v5 =	vld [tilespmem:s5+$0xFFFFFFF0];
	_ =	sdelay $0x4  }
0x18d: {  	v6 =	vshll.u32 v5, $0x3  }
0x18e: {  	v5 =	vand.u32 $0x7, v5;
	v6 =	vand.u32 $0xFFFFFFC0, v6  }
0x18f: {  	v5 =	vor.u32 v5, v6  }
0x190: {  	v6 =	vperm.xlane v5, v2;
	_ =	sdelay $0x1  }
0x191: {  	v6 =	vadd.s32 v3, v6;
	_ =	sdelay $0x3  }
0x192: {  	s13 =	simm.s32 $0x5080  }
0x193: {  	[tilespmem:s13], [sflag:$0x1] =	stream.indirect_vreg.gather [hbm4b:s1+s4], $0x80, v6, vm0, $0xb8;
	[tilespmem:$0x11080] =	vst v63  }
0x194: {  	v5 =	vperm.xlane v5, v4;
	s13 =	simm.s32 $0x5880  }
0x195: {  	[tilespmem:s13], [sflag:$0x1] =	stream.indirect_vreg.gather [hbm4b:s7+s4], $0x80, v6, vm0, $0xb8;
	[tilespmem:$0x11080] =	vst v63  }
0x196: {  	s14 =	simm.s32 $0x6080;
	v5 =	vadd.s32 v3, v5  }
0x197: {  	[tilespmem:s14], [sflag:$0x1] =	stream.indirect_vreg.gather [hbm4b:s8+s4], $0x80, v6, vm0, $0xb8;
	[tilespmem:$0x11080] =	vst v63  }
0x198: {  	s14 =	simm.s32 $0x6880  }
0x199: {  	[tilespmem:s14], [sflag:$0x1] =	stream.indirect_vreg.gather [hbm4b:s9+s4], $0x80, v6, vm0, $0xb8;
	[tilespmem:$0x11080] =	vst v63  }
0x19a: {  	s16 =	simm.s32 $0x7080  }
0x19b: {  	[tilespmem:s16], [sflag:$0x1] =	stream.indirect_vreg.gather [hbm4b:s1+s4], $0x80, v5, vm0, $0xb8;
	[tilespmem:$0x11080] =	vst v63  }
0x19c: {  	s16 =	simm.s32 $0x7880  }
0x19d: {  	[tilespmem:s16], [sflag:$0x1] =	stream.indirect_vreg.gather [hbm4b:s7+s4], $0x80, v5, vm0, $0xb8;
	[tilespmem:$0x11080] =	vst v63  }
0x19e: {  	s17 =	simm.s32 $0x8080  }
0x19f: {  	[tilespmem:s17], [sflag:$0x1] =	stream.indirect_vreg.gather [hbm4b:s8+s4], $0x80, v5, vm0, $0xb8;
	[tilespmem:$0x11080] =	vst v63  }
0x1a0: {  	s17 =	simm.s32 $0x8880  }
0x1a1: {  	[tilespmem:s17], [sflag:$0x1] =	stream.indirect_vreg.gather [hbm4b:s9+s4], $0x80, v5, vm0, $0xb8;
	[tilespmem:$0x11080] =	vst v63  }
0x1a2: {  	v5 =	vld [tilespmem:s5+$0x0];
	_ =	sdelay $0x4  }
0x1a3: {  	v6 =	vshll.u32 v5, $0x3  }
0x1a4: {  	v5 =	vand.u32 $0x7, v5;
	v6 =	vand.u32 $0xFFFFFFC0, v6  }
0x1a5: {  	v5 =	vor.u32 v5, v6  }
0x1a6: {  	v6 =	vperm.xlane v5, v2;
	_ =	sdelay $0x1  }
0x1a7: {  	v6 =	vadd.s32 v3, v6;
	_ =	sdelay $0x3  }
0x1a8: {  	s15 =	simm.s32 $0x9080  }
0x1a9: {  	[tilespmem:s15], [sflag:$0x1] =	stream.indirect_vreg.gather [hbm4b:s1+s4], $0x80, v6, vm0, $0xb8;
	[tilespmem:$0x11080] =	vst v63  }
0x1aa: {  	v5 =	vperm.xlane v5, v4;
	s15 =	simm.s32 $0x9880  }
0x1ab: {  	[tilespmem:s15], [sflag:$0x1] =	stream.indirect_vreg.gather [hbm4b:s7+s4], $0x80, v6, vm0, $0xb8;
	[tilespmem:$0x11080] =	vst v63  }
0x1ac: {  	s18 =	simm.s32 $0xA080;
	v5 =	vadd.s32 v3, v5  }
0x1ad: {  	[tilespmem:s18], [sflag:$0x1] =	stream.indirect_vreg.gather [hbm4b:s8+s4], $0x80, v6, vm0, $0xb8;
	[tilespmem:$0x11080] =	vst v63  }
0x1ae: {  	s18 =	simm.s32 $0xA880  }
0x1af: {  	[tilespmem:s18], [sflag:$0x1] =	stream.indirect_vreg.gather [hbm4b:s9+s4], $0x80, v6, vm0, $0xb8;
	[tilespmem:$0x11080] =	vst v63  }
0x1b0: {  	s20 =	simm.s32 $0xB080  }
0x1b1: {  	[tilespmem:s20], [sflag:$0x1] =	stream.indirect_vreg.gather [hbm4b:s1+s4], $0x80, v5, vm0, $0xb8;
	[tilespmem:$0x11080] =	vst v63  }
0x1b2: {  	s20 =	simm.s32 $0xB880  }
0x1b3: {  	[tilespmem:s20], [sflag:$0x1] =	stream.indirect_vreg.gather [hbm4b:s7+s4], $0x80, v5, vm0, $0xb8;
	[tilespmem:$0x11080] =	vst v63  }
0x1b4: {  	s21 =	simm.s32 $0xC080  }
0x1b5: {  	[tilespmem:s21], [sflag:$0x1] =	stream.indirect_vreg.gather [hbm4b:s8+s4], $0x80, v5, vm0, $0xb8;
	[tilespmem:$0x11080] =	vst v63  }
0x1b6: {  	s21 =	simm.s32 $0xC880  }
0x1b7: {  	[tilespmem:s21], [sflag:$0x1] =	stream.indirect_vreg.gather [hbm4b:s9+s4], $0x80, v5, vm0, $0xb8;
	[tilespmem:$0x11080] =	vst v63  }
0x1b8: {  	v5 =	vld [tilespmem:s5+$0x10];
	_ =	sdelay $0x4  }
0x1b9: {  	v6 =	vshll.u32 v5, $0x3  }
0x1ba: {  	v5 =	vand.u32 $0x7, v5;
	v6 =	vand.u32 $0xFFFFFFC0, v6  }
0x1bb: {  	v5 =	vor.u32 v5, v6  }
0x1bc: {  	v6 =	vperm.xlane v5, v2;
	_ =	sdelay $0x1  }
0x1bd: {  	v6 =	vadd.s32 v3, v6;
	_ =	sdelay $0x3  }
0x1be: {  	s22 =	simm.s32 $0xD080  }
0x1bf: {  	[tilespmem:s22], [sflag:$0x1] =	stream.indirect_vreg.gather [hbm4b:s1+s4], $0x80, v6, vm0, $0xb8;
	[tilespmem:$0x11080] =	vst v63  }
0x1c0: {  	v5 =	vperm.xlane v5, v4;
	s22 =	simm.s32 $0xD880  }
0x1c1: {  	[tilespmem:s22], [sflag:$0x1] =	stream.indirect_vreg.gather [hbm4b:s7+s4], $0x80, v6, vm0, $0xb8;
	[tilespmem:$0x11080] =	vst v63  }
0x1c2: {  	s23 =	simm.s32 $0xE080;
	v5 =	vadd.s32 v3, v5  }
0x1c3: {  	[tilespmem:s23], [sflag:$0x1] =	stream.indirect_vreg.gather [hbm4b:s8+s4], $0x80, v6, vm0, $0xb8;
	[tilespmem:$0x11080] =	vst v63  }
0x1c4: {  	s23 =	simm.s32 $0xE880  }
0x1c5: {  	[tilespmem:s23], [sflag:$0x1] =	stream.indirect_vreg.gather [hbm4b:s9+s4], $0x80, v6, vm0, $0xb8;
	[tilespmem:$0x11080] =	vst v63  }
0x1c6: {  	s24 =	simm.s32 $0xF080  }
0x1c7: {  	[tilespmem:s24], [sflag:$0x1] =	stream.indirect_vreg.gather [hbm4b:s1+s4], $0x80, v5, vm0, $0xb8;
	[tilespmem:$0x11080] =	vst v63  }
0x1c8: {  	s24 =	simm.s32 $0xF880  }
0x1c9: {  	[tilespmem:s24], [sflag:$0x1] =	stream.indirect_vreg.gather [hbm4b:s7+s4], $0x80, v5, vm0, $0xb8;
	[tilespmem:$0x11080] =	vst v63  }
0x1ca: {  	s25 =	simm.s32 $0x10080  }
0x1cb: {  	[tilespmem:s25], [sflag:$0x1] =	stream.indirect_vreg.gather [hbm4b:s8+s4], $0x80, v5, vm0, $0xb8;
	[tilespmem:$0x11080] =	vst v63  }
0x1cc: {  	s25 =	simm.s32 $0x10880  }
0x1cd: {  	[tilespmem:s25], [sflag:$0x1] =	stream.indirect_vreg.gather [hbm4b:s9+s4], $0x80, v5, vm0, $0xb8;
	[tilespmem:$0x11080] =	vst v63  }
0x1ce: {  	_ =	swait.ge [sflag:s26], $0x10000  }
0x1cf: {  	[sflag:s26] =	ssyncset.done $0x0  }
0x1d0: {  	[sflag:s26] =	ssyncadd.s32 $0xFFFF0000  }
0x1d1: {  	v5 =	vld [tilespmem:s6+$0xFFFFFFE0];
	_ =	sdelay $0x4  }
0x1d2: {  	v6 =	vshll.u32 v5, $0x3  }
0x1d3: {  	v5 =	vand.u32 $0x7, v5;
	v6 =	vand.u32 $0xFFFFFFC0, v6  }
0x1d4: {  	v5 =	vor.u32 v5, v6  }
0x1d5: {  	v6 =	vperm.xlane v5, v2;
	_ =	sdelay $0x1  }
0x1d6: {  	v6 =	vadd.s32 v3, v6;
	_ =	sdelay $0x4  }
0x1d7: {  	[hbm4b:s3+s4] =	stream.indirect_vreg.scatter [tilespmem:s29], [sflag:$0x2], $0x80, v6, vm0, $0xb8;
	[tilespmem:$0x11080] =	vst v63  }
0x1d8: {  	s0 =	simm.s32 $0x1880;
	v5 =	vperm.xlane v5, v4  }
0x1d9: {  	[hbm4b:s10+s4] =	stream.indirect_vreg.scatter [tilespmem:s0], [sflag:$0x2], $0x80, v6, vm0, $0xb8;
	[tilespmem:$0x11080] =	vst v63  }
0x1da: {  	v5 =	vadd.s32 v3, v5  }
0x1db: {  	[hbm4b:s11+s4] =	stream.indirect_vreg.scatter [tilespmem:s30], [sflag:$0x2], $0x80, v6, vm0, $0xb8;
	[tilespmem:$0x11080] =	vst v63  }
0x1dc: {  	s0 =	simm.s32 $0x2880  }
0x1dd: {  	[hbm4b:s12+s4] =	stream.indirect_vreg.scatter [tilespmem:s0], [sflag:$0x2], $0x80, v6, vm0, $0xb8;
	[tilespmem:$0x11080] =	vst v63  }
0x1de: {  	_ = 	snop  }
0x1df: {  	[hbm4b:s3+s4] =	stream.indirect_vreg.scatter [tilespmem:s31], [sflag:$0x2], $0x80, v5, vm0, $0xb8;
	[tilespmem:$0x11080] =	vst v63  }
0x1e0: {  	s30 =	simm.s32 $0x3880  }
0x1e1: {  	[hbm4b:s10+s4] =	stream.indirect_vreg.scatter [tilespmem:s30], [sflag:$0x2], $0x80, v5, vm0, $0xb8;
	[tilespmem:$0x11080] =	vst v63  }
0x1e2: {  	s31 =	simm.s32 $0x4080  }
0x1e3: {  	[hbm4b:s11+s4] =	stream.indirect_vreg.scatter [tilespmem:s31], [sflag:$0x2], $0x80, v5, vm0, $0xb8;
	[tilespmem:$0x11080] =	vst v63  }
0x1e4: {  	_ = 	snop  }
0x1e5: {  	[hbm4b:s12+s4] =	stream.indirect_vreg.scatter [tilespmem:s19], [sflag:$0x2], $0x80, v5, vm0, $0xb8;
	[tilespmem:$0x11080] =	vst v63  }
0x1e6: {  	v5 =	vld [tilespmem:s6+$0xFFFFFFF0];
	_ =	sdelay $0x4  }
0x1e7: {  	v6 =	vshll.u32 v5, $0x3  }
0x1e8: {  	v5 =	vand.u32 $0x7, v5;
	v6 =	vand.u32 $0xFFFFFFC0, v6  }
0x1e9: {  	v5 =	vor.u32 v5, v6  }
0x1ea: {  	v6 =	vperm.xlane v5, v2;
	_ =	sdelay $0x1  }
0x1eb: {  	v6 =	vadd.s32 v3, v6;
	_ =	sdelay $0x3  }
0x1ec: {  	s29 =	simm.s32 $0x5080  }
0x1ed: {  	[hbm4b:s3+s4] =	stream.indirect_vreg.scatter [tilespmem:s29], [sflag:$0x2], $0x80, v6, vm0, $0xb8;
	[tilespmem:$0x11080] =	vst v63  }
0x1ee: {  	v5 =	vperm.xlane v5, v4  }
0x1ef: {  	[hbm4b:s10+s4] =	stream.indirect_vreg.scatter [tilespmem:s13], [sflag:$0x2], $0x80, v6, vm0, $0xb8;
	[tilespmem:$0x11080] =	vst v63  }
0x1f0: {  	s30 =	simm.s32 $0x6080;
	v5 =	vadd.s32 v3, v5  }
0x1f1: {  	[hbm4b:s11+s4] =	stream.indirect_vreg.scatter [tilespmem:s30], [sflag:$0x2], $0x80, v6, vm0, $0xb8;
	[tilespmem:$0x11080] =	vst v63  }
0x1f2: {  	_ = 	snop  }
0x1f3: {  	[hbm4b:s12+s4] =	stream.indirect_vreg.scatter [tilespmem:s14], [sflag:$0x2], $0x80, v6, vm0, $0xb8;
	[tilespmem:$0x11080] =	vst v63  }
0x1f4: {  	s31 =	simm.s32 $0x7080  }
0x1f5: {  	[hbm4b:s3+s4] =	stream.indirect_vreg.scatter [tilespmem:s31], [sflag:$0x2], $0x80, v5, vm0, $0xb8;
	[tilespmem:$0x11080] =	vst v63  }
0x1f6: {  	_ = 	snop  }
0x1f7: {  	[hbm4b:s10+s4] =	stream.indirect_vreg.scatter [tilespmem:s16], [sflag:$0x2], $0x80, v5, vm0, $0xb8;
	[tilespmem:$0x11080] =	vst v63  }
0x1f8: {  	s13 =	simm.s32 $0x8080  }
0x1f9: {  	[hbm4b:s11+s4] =	stream.indirect_vreg.scatter [tilespmem:s13], [sflag:$0x2], $0x80, v5, vm0, $0xb8;
	[tilespmem:$0x11080] =	vst v63  }
0x1fa: {  	_ = 	snop  }
0x1fb: {  	[hbm4b:s12+s4] =	stream.indirect_vreg.scatter [tilespmem:s17], [sflag:$0x2], $0x80, v5, vm0, $0xb8;
	[tilespmem:$0x11080] =	vst v63  }
0x1fc: {  	v5 =	vld [tilespmem:s6+$0x0];
	_ =	sdelay $0x4  }
0x1fd: {  	v6 =	vshll.u32 v5, $0x3  }
0x1fe: {  	v5 =	vand.u32 $0x7, v5;
	v6 =	vand.u32 $0xFFFFFFC0, v6  }
0x1ff: {  	v5 =	vor.u32 v5, v6  }
0x200: {  	v6 =	vperm.xlane v5, v2;
	_ =	sdelay $0x1  }
0x201: {  	v6 =	vadd.s32 v3, v6;
	_ =	sdelay $0x3  }
0x202: {  	s14 =	simm.s32 $0x9080  }
0x203: {  	[hbm4b:s3+s4] =	stream.indirect_vreg.scatter [tilespmem:s14], [sflag:$0x2], $0x80, v6, vm0, $0xb8;
	[tilespmem:$0x11080] =	vst v63  }
0x204: {  	v5 =	vperm.xlane v5, v4  }
0x205: {  	[hbm4b:s10+s4] =	stream.indirect_vreg.scatter [tilespmem:s15], [sflag:$0x2], $0x80, v6, vm0, $0xb8;
	[tilespmem:$0x11080] =	vst v63  }
0x206: {  	s16 =	simm.s32 $0xA080;
	v5 =	vadd.s32 v3, v5  }
0x207: {  	[hbm4b:s11+s4] =	stream.indirect_vreg.scatter [tilespmem:s16], [sflag:$0x2], $0x80, v6, vm0, $0xb8;
	[tilespmem:$0x11080] =	vst v63  }
0x208: {  	_ = 	snop  }
0x209: {  	[hbm4b:s12+s4] =	stream.indirect_vreg.scatter [tilespmem:s18], [sflag:$0x2], $0x80, v6, vm0, $0xb8;
	[tilespmem:$0x11080] =	vst v63  }
0x20a: {  	s17 =	simm.s32 $0xB080  }
0x20b: {  	[hbm4b:s3+s4] =	stream.indirect_vreg.scatter [tilespmem:s17], [sflag:$0x2], $0x80, v5, vm0, $0xb8;
	[tilespmem:$0x11080] =	vst v63  }
0x20c: {  	_ = 	snop  }
0x20d: {  	[hbm4b:s10+s4] =	stream.indirect_vreg.scatter [tilespmem:s20], [sflag:$0x2], $0x80, v5, vm0, $0xb8;
	[tilespmem:$0x11080] =	vst v63  }
0x20e: {  	s19 =	simm.s32 $0xC080  }
0x20f: {  	[hbm4b:s11+s4] =	stream.indirect_vreg.scatter [tilespmem:s19], [sflag:$0x2], $0x80, v5, vm0, $0xb8;
	[tilespmem:$0x11080] =	vst v63  }
0x210: {  	_ = 	snop  }
0x211: {  	[hbm4b:s12+s4] =	stream.indirect_vreg.scatter [tilespmem:s21], [sflag:$0x2], $0x80, v5, vm0, $0xb8;
	[tilespmem:$0x11080] =	vst v63  }
0x212: {  	v5 =	vld [tilespmem:s6+$0x10];
	_ =	sdelay $0x4  }
0x213: {  	v6 =	vshll.u32 v5, $0x3  }
0x214: {  	v5 =	vand.u32 $0x7, v5;
	v6 =	vand.u32 $0xFFFFFFC0, v6  }
0x215: {  	v5 =	vor.u32 v5, v6  }
0x216: {  	v6 =	vperm.xlane v5, v2;
	_ =	sdelay $0x1  }
0x217: {  	v6 =	vadd.s32 v3, v6;
	_ =	sdelay $0x3  }
0x218: {  	s20 =	simm.s32 $0xD080  }
0x219: {  	[hbm4b:s3+s4] =	stream.indirect_vreg.scatter [tilespmem:s20], [sflag:$0x2], $0x80, v6, vm0, $0xb8;
	[tilespmem:$0x11080] =	vst v63  }
0x21a: {  	v5 =	vperm.xlane v5, v4  }
0x21b: {  	[hbm4b:s10+s4] =	stream.indirect_vreg.scatter [tilespmem:s22], [sflag:$0x2], $0x80, v6, vm0, $0xb8;
	[tilespmem:$0x11080] =	vst v63  }
0x21c: {  	s29 =	simm.s32 $0xE080;
	v5 =	vadd.s32 v3, v5  }
0x21d: {  	[hbm4b:s11+s4] =	stream.indirect_vreg.scatter [tilespmem:s29], [sflag:$0x2], $0x80, v6, vm0, $0xb8;
	[tilespmem:$0x11080] =	vst v63  }
0x21e: {  	_ = 	snop  }
0x21f: {  	[hbm4b:s12+s4] =	stream.indirect_vreg.scatter [tilespmem:s23], [sflag:$0x2], $0x80, v6, vm0, $0xb8;
	[tilespmem:$0x11080] =	vst v63  }
0x220: {  	s30 =	simm.s32 $0xF080  }
0x221: {  	[hbm4b:s3+s4] =	stream.indirect_vreg.scatter [tilespmem:s30], [sflag:$0x2], $0x80, v5, vm0, $0xb8;
	[tilespmem:$0x11080] =	vst v63  }
0x222: {  	_ = 	snop  }
0x223: {  	[hbm4b:s10+s4] =	stream.indirect_vreg.scatter [tilespmem:s24], [sflag:$0x2], $0x80, v5, vm0, $0xb8;
	[tilespmem:$0x11080] =	vst v63  }
0x224: {  	p0 =	sne.s32 s2, $0x1;
	s31 =	simm.s32 $0x10080  }
0x225: {  	[hbm4b:s11+s4] =	stream.indirect_vreg.scatter [tilespmem:s31], [sflag:$0x2], $0x80, v5, vm0, $0xb8;
	[tilespmem:$0x11080] =	vst v63  }
.Ltmp7:
0x226: {  	_ = 	snop;
	(pc) =	sbr.rel @p0 .LBB2_10-.Ltmp7, $4  }
0x227: {  	[hbm4b:s12+s4] =	stream.indirect_vreg.scatter [tilespmem:s25], [sflag:$0x2], $0x80, v5, vm0, $0xb8;
	[tilespmem:$0x11080] =	vst v63  }
0x228: {  	_ =	swait.ge [sflag:s28], $0x10000  }
0x229: {  	s2 =	sadd.s32 $0xFFFFFFFF, s2;
	[sflag:s28] =	ssyncset.done $0x0  }
0x22a: {  	s5 =	sadd.s32 $0x40, s5;
	s6 =	sadd.s32 $0x80, s6;
	[sflag:s28] =	ssyncadd.s32 $0xFFFF0000  }
.Ltmp8:
0x22b: {  	_ = 	snop;
	(pc) =	sbr.rel .LBB2_11-.Ltmp8, $1  }
0x22c: {  	_ =	sdelay $0x3  }
.LBB2_12:
0x22d: {  	_ =	sfence.sel $0x180000  }
0x22e: {  	[bflag:$0x0] =	sbarrier.arrive $0xFFFF  }
0x22f: {  	_ =	strace $0x90000047  }
0x230: {  	s0 =	stileid.u32;
	[bflag:$0x2] =	sbarrier.arrive $0xFFFF  }
0x231: {  	p0 =	sne.s32 s0, $0x0;
	s0 =	rddreg [dreg:$0x3]  }
0x232: {  	s0 =	sadd.s32 @!p0 $0x100000, s0  }
0x233: {  	[sflag:s0] =	ssyncadd.tile.s32 @!p0 $0x1;
	_ =	shalt  }
.Lfunc_end2:
_tile_overlayer_lowered:
.L_overlay_start_2:
0x234: {  	(tag) =	ssettag $0x2  }
0x235: {  	s0 =	rddreg [dreg:$0x0];
	s2 =	stileid.u32  }
0x236: {  	s1 =	rddreg [dreg:$0x1];
	p0 =	sne.s32 s2, $0x0  }
0x237: {  	s3 =	rddreg [dreg:$0x2];
	[bflag:$0x3] =	sbarrier.arrive $0xFFFF;
	s2 =	simm.s32 @!p0 $0x1C03  }
0x238: {  	[timem:s3], [sflag:s2] =	dma.local @!p0 [hbm:s0], s1  }
0x239: {  	s0 =	simm.s32 @!p0 $0x3  }
0x23a: {  	_ =	swait.ge @!p0 [sflag:s0], s1  }
0x23b: {  	s1 =	ssub.s32 @!p0 $0x0, s1;
	[sflag:s0] =	ssyncset.done @!p0 $0x0  }
0x23c: {  	[sflag:s0] =	ssyncadd.s32 @!p0 s1  }
0x23d: {  	[bflag:$0x3] =	sbarrier.arrive $0xFFFF  }
0x23e: {  	_ =	shalt  }

</sc_bundles>
